<compile_context>
chip_gen: v7x
topology: tpu7x:2x2x1
jax: 0.10.2.dev20260603
libtpu: 0.0.44.dev20260713+nightly
codegen_flags: <defaults>
</compile_context>

<pallas_src>
import functools

import jax
import jax.numpy as jnp
from jax import lax
from jax.experimental import pallas as pl
from jax.experimental.pallas import tpu as pltpu
from jax.experimental.pallas import tpu_sc as plsc

N = 10000
D = 128
E = 320000

NC = 2
NS = 16
NW = NC * NS
EPW = E // NW
CH = 80
NCHUNK = EPW // CH
NBUF = 5
LA = NBUF - 2
NQUAD = NCHUNK // NBUF
NPAD = 10240
RPT = NPAD // NS
DEGW = 16

_f32 = jnp.float32
_bf16 = jnp.bfloat16


def _sc_body(with_deg, *refs):
    if with_deg:
        (p_hbm, ei_hbm, agg_out, deg_out,
         sidx, didx, r0, r1, r2, r3, r4, zbuf, ones_v, zb16, agg_sh, deg_sh,
         g0, g1, g2, g3, g4, s0, s1, s2, s3, s4, dsem) = refs
    else:
        (p_hbm, ei_hbm, agg_out,
         sidx, didx, r0, r1, r2, r3, r4, zbuf, agg_sh,
         g0, g1, g2, g3, g4, s0, s1, s2, s3, s4) = refs
    c = lax.axis_index("c")
    s = lax.axis_index("s")
    wid = c * NS + s
    rows = (r0, r1, r2, r3, r4)
    gsem = (g0, g1, g2, g3, g4)
    ssem = (s0, s1, s2, s3, s4)

    def start_gather(j, b):
        pltpu.async_copy(p_hbm.at[sidx.at[j]], rows[b], gsem[b])

    def wait_gather(j, b):
        pltpu.make_async_copy(p_hbm.at[sidx.at[j]], rows[b], gsem[b]).wait()

    def wait_scatter(j, b):
        pltpu.make_async_copy(rows[b], agg_sh.at[didx.at[j]], ssem[b]).wait()

    def step(j, b):
        wait_gather(j, b)
        pltpu.async_copy(rows[b], agg_sh.at[didx.at[j]], ssem[b], add=True)
        if with_deg:
            pltpu.async_copy(ones_v, deg_sh.at[didx.at[j]], dsem, add=True)
        nb = (b + LA) % NBUF

        @pl.when(j >= 2)
        def _():
            wait_scatter(j - 2, nb)

        @pl.when(j + LA < NCHUNK)
        def _():
            start_gather(j + LA, nb)

    zero32 = jnp.zeros((32,), _bf16)

    def zrow(i, carry):
        for k in range(D // 32):
            zbuf[i, pl.ds(32 * k, 32)] = zero32
        return carry

    pltpu.sync_copy(ei_hbm.at[0, wid], sidx)
    pltpu.sync_copy(ei_hbm.at[1, wid], didx)
    for j in range(LA):
        start_gather(j, j)

    lax.fori_loop(0, 128, zrow, 0)
    for k in range(RPT // 128):
        pltpu.sync_copy(zbuf, agg_sh.at[pl.ds(s * RPT + k * 128, 128)])

    if with_deg:
        zero16 = jnp.zeros((16,), _f32)
        one16 = jnp.ones((16,), _f32)

        def zrow16(i, carry):
            zb16[i, :] = zero16
            return carry

        lax.fori_loop(0, 128, zrow16, 0)
        for k in range(RPT // 128):
            pltpu.sync_copy(zb16, deg_sh.at[pl.ds(s * RPT + k * 128, 128)])

        def orow(i, carry):
            ones_v[i, :] = one16
            return carry

        lax.fori_loop(0, CH, orow, 0)

    plsc.subcore_barrier()

    def body(q, carry):
        for b in range(NBUF):
            step(NBUF * q + b, b)
        return carry

    lax.fori_loop(0, NQUAD, body, 0)
    for j in range(NCHUNK - 2, NCHUNK):
        wait_scatter(j, j % NBUF)
    if with_deg:
        def drain(j, carry):
            pltpu.make_async_copy(ones_v, deg_sh.at[didx.at[0]], dsem).wait()
            return carry

        lax.fori_loop(0, NCHUNK, drain, 0)

    plsc.subcore_barrier()

    pltpu.sync_copy(agg_sh.at[pl.ds(s * RPT, RPT)],
                    agg_out.at[c, pl.ds(s * RPT, RPT)])
    if with_deg:
        pltpu.sync_copy(deg_sh.at[pl.ds(s * RPT, RPT)],
                        deg_out.at[c, pl.ds(s * RPT, RPT)])


@functools.lru_cache(maxsize=None)
def _make_sc(with_deg):
    out_type = [jax.ShapeDtypeStruct((NC, NPAD, D), _bf16)]
    if with_deg:
        out_type.append(jax.ShapeDtypeStruct((NC, NPAD, DEGW), _f32))
    scratch = [
        pltpu.VMEM((NCHUNK, CH), jnp.int32),
        pltpu.VMEM((NCHUNK, CH), jnp.int32),
        pltpu.VMEM((CH, D), _bf16),
        pltpu.VMEM((CH, D), _bf16),
        pltpu.VMEM((CH, D), _bf16),
        pltpu.VMEM((CH, D), _bf16),
        pltpu.VMEM((CH, D), _bf16),
        pltpu.VMEM((128, D), _bf16),
    ]
    if with_deg:
        scratch += [
            pltpu.VMEM((CH, DEGW), _f32),
            pltpu.VMEM((128, DEGW), _f32),
        ]
    scratch.append(pltpu.VMEM_SHARED((NPAD, D), _bf16))
    if with_deg:
        scratch.append(pltpu.VMEM_SHARED((NPAD, DEGW), _f32))
    scratch += [pltpu.SemaphoreType.DMA] * (11 if with_deg else 10)
    mesh = plsc.VectorSubcoreMesh(core_axis_name="c", subcore_axis_name="s")
    return pl.kernel(
        functools.partial(_sc_body, with_deg),
        out_type=out_type,
        mesh=mesh,
        scratch_types=scratch,
        compiler_params=pltpu.CompilerParams(use_tc_tiling_on_sc=False),
        name="sage_sc_agg_deg" if with_deg else "sage_sc_agg",
    )


_BM = 2048
_GRID = (N + _BM - 1) // _BM

_dot = functools.partial(jnp.dot, preferred_element_type=_f32,
                         precision=jax.lax.Precision.HIGHEST)


def _proj_body(x_ref, w_ref, p_ref):
    p_ref[...] = _dot(x_ref[...], w_ref[...]).astype(p_ref.dtype)


def _tc2_body(s1_ref, agg_ref, deg_ref, b_ref, wn_ref, h_ref, p_ref):
    deg = jnp.maximum(deg_ref[0, :, 0:1] + deg_ref[1, :, 0:1], 1.0)
    agg = agg_ref[0].astype(_f32) + agg_ref[1].astype(_f32)
    h = jnp.maximum(s1_ref[...] + agg / deg + b_ref[...], 0.0)
    h_ref[...] = h
    p_ref[...] = _dot(h, wn_ref[...]).astype(_bf16)


def _tc3_body(s2_ref, agg_ref, deg_ref, b_ref, o_ref):
    deg = jnp.maximum(deg_ref[0, :, 0:1] + deg_ref[1, :, 0:1], 1.0)
    agg = agg_ref[0].astype(_f32) + agg_ref[1].astype(_f32)
    o_ref[...] = s2_ref[...] + agg / deg + b_ref[...]


_row_spec = pl.BlockSpec((_BM, D), lambda i: (i, 0))
_w_spec = pl.BlockSpec((D, D), lambda i: (0, 0))
_b_spec = pl.BlockSpec((1, D), lambda i: (0, 0))
_agg_spec = pl.BlockSpec((NC, _BM, D), lambda i: (0, i, 0))
_deg_spec = pl.BlockSpec((NC, _BM, DEGW), lambda i: (0, i, 0))
_row_out = jax.ShapeDtypeStruct((N, D), _f32)
_p_out = jax.ShapeDtypeStruct((N, D), _bf16)

_proj_bf16 = pl.pallas_call(
    _proj_body,
    grid=(_GRID,),
    in_specs=[_row_spec, _w_spec],
    out_specs=_row_spec,
    out_shape=_p_out,
)

_proj_f32 = pl.pallas_call(
    _proj_body,
    grid=(_GRID,),
    in_specs=[_row_spec, _w_spec],
    out_specs=_row_spec,
    out_shape=_row_out,
)

_tc2 = pl.pallas_call(
    _tc2_body,
    grid=(_GRID,),
    in_specs=[_row_spec, _agg_spec, _deg_spec, _b_spec, _w_spec],
    out_specs=[_row_spec, _row_spec],
    out_shape=[_row_out, _p_out],
)

_tc3 = pl.pallas_call(
    _tc3_body,
    grid=(_GRID,),
    in_specs=[_row_spec, _agg_spec, _deg_spec, _b_spec],
    out_specs=_row_spec,
    out_shape=_row_out,
)


def kernel(x, edge_index, W1_self, W1_neigh, b1, W2_self, W2_neigh, b2):
    ei = edge_index.reshape(2, NW, NCHUNK, CH)
    b1r = b1.reshape(1, D)
    b2r = b2.reshape(1, D)

    p1 = _proj_bf16(x, W1_neigh)
    agg1, deg = _make_sc(True)(p1, ei)
    s1 = _proj_f32(x, W1_self)
    h, p2 = _tc2(s1, agg1, deg, b1r, W2_neigh)
    agg2 = _make_sc(False)(p2, ei)[0]
    s2 = _proj_f32(h, W2_self)
    out = _tc3(s2, agg2, deg, b2r)
    return out

# --- scband reference (transcript-rebuilt; emitter-appended) ---
"""Pipeline reference for scband-graph-sage-54185307406416 (READ-ONLY COPY).

The authoritative reference and input builder live on the scoring server;
editing this copy changes nothing except your own understanding.
"""

import jax, jax.numpy as jnp
import numpy as np

N = 10000
E = 320000
D = 128
H = 128
O = 128


def setup_inputs(seed: int = 0) -> dict:
    key = jax.random.key(seed)
    ks = jax.random.split(key, 9)
    x = jax.random.normal(ks[0], (N, D), dtype=jnp.float32)
    edge_index = jax.random.randint(ks[1], (2, E), 0, N, dtype=jnp.int32)
    s_in = 1.0 / np.sqrt(D)
    s_h = 1.0 / np.sqrt(H)
    W1_self = jax.random.normal(ks[2], (D, H), dtype=jnp.float32) * s_in
    W1_neigh = jax.random.normal(ks[3], (D, H), dtype=jnp.float32) * s_in
    b1 = jnp.zeros((H,), dtype=jnp.float32)
    W2_self = jax.random.normal(ks[4], (H, O), dtype=jnp.float32) * s_h
    W2_neigh = jax.random.normal(ks[5], (H, O), dtype=jnp.float32) * s_h
    b2 = jnp.zeros((O,), dtype=jnp.float32)
    return {
        "x": x,
        "edge_index": edge_index,
        "W1_self": W1_self,
        "W1_neigh": W1_neigh,
        "b1": b1,
        "W2_self": W2_self,
        "W2_neigh": W2_neigh,
        "b2": b2,
    }


def _sage_mean_layer(h, src, dst, W_self, W_neigh, b):
    # DGL SAGEConv(aggregator_type='mean'):
    #   h_out = fc_self(h) + fc_neigh(mean_{j in N(i)} h_j) + bias
    msgs = h[src]  # gather along edges
    agg = jax.ops.segment_sum(msgs, dst, num_segments=N)
    deg = jax.ops.segment_sum(jnp.ones((src.shape[0],), dtype=h.dtype), dst, num_segments=N)
    mean_neigh = agg / jnp.maximum(deg, 1.0)[:, None]
    return h @ W_self + mean_neigh @ W_neigh + b


def reference(x, edge_index, W1_self, W1_neigh, b1, W2_self, W2_neigh, b2):
    src = edge_index[0]
    dst = edge_index[1]
    h = _sage_mean_layer(x, src, dst, W1_self, W1_neigh, b1)
    h = jax.nn.relu(h)
    out = _sage_mean_layer(h, src, dst, W2_self, W2_neigh, b2)
    return out

if __name__ == "__main__":
    import jax
    _d = setup_inputs()
    print(jax.jit(kernel)(*tuple(_d.values())))

</pallas_src>

<mosaic_0001>
#map = affine_map<(d0, d1) -> (0, 0)>
#map1 = affine_map<(d0, d1) -> (0, 0, 0, 0)>
#map2 = affine_map<(d0, d1) -> (0, 0, 0)>
module attributes {stable_mosaic.version = 14 : i64} {
  func.func @sage_sc_agg_deg(%arg0: i32, %arg1: i32, %arg2: memref<10000x128xbf16, #tpu.memory_space<hbm>>, %arg3: memref<2x32x125x80xi32, #tpu.memory_space<hbm>>, %arg4: memref<2x10240x128xbf16, #tpu.memory_space<hbm>>, %arg5: memref<2x10240x16xf32, #tpu.memory_space<hbm>>, %arg6: memref<125x80xi32, #tpu.memory_space<vmem>>, %arg7: memref<125x80xi32, #tpu.memory_space<vmem>>, %arg8: memref<80x128xbf16, #tpu.memory_space<vmem>>, %arg9: memref<80x128xbf16, #tpu.memory_space<vmem>>, %arg10: memref<80x128xbf16, #tpu.memory_space<vmem>>, %arg11: memref<80x128xbf16, #tpu.memory_space<vmem>>, %arg12: memref<80x128xbf16, #tpu.memory_space<vmem>>, %arg13: memref<128x128xbf16, #tpu.memory_space<vmem>>, %arg14: memref<80x16xf32, #tpu.memory_space<vmem>>, %arg15: memref<128x16xf32, #tpu.memory_space<vmem>>, %arg16: memref<10240x128xbf16, #tpu.memory_space<vmem_shared>>, %arg17: memref<10240x16xf32, #tpu.memory_space<vmem_shared>>, %arg18: memref<!tpu.dma_semaphore, #tpu.memory_space<semaphore_mem>>, %arg19: memref<!tpu.dma_semaphore, #tpu.memory_space<semaphore_mem>>, %arg20: memref<!tpu.dma_semaphore, #tpu.memory_space<semaphore_mem>>, %arg21: memref<!tpu.dma_semaphore, #tpu.memory_space<semaphore_mem>>, %arg22: memref<!tpu.dma_semaphore, #tpu.memory_space<semaphore_mem>>, %arg23: memref<!tpu.dma_semaphore, #tpu.memory_space<semaphore_mem>>, %arg24: memref<!tpu.dma_semaphore, #tpu.memory_space<semaphore_mem>>, %arg25: memref<!tpu.dma_semaphore, #tpu.memory_space<semaphore_mem>>, %arg26: memref<!tpu.dma_semaphore, #tpu.memory_space<semaphore_mem>>, %arg27: memref<!tpu.dma_semaphore, #tpu.memory_space<semaphore_mem>>, %arg28: memref<!tpu.dma_semaphore, #tpu.memory_space<semaphore_mem>>) attributes {dimension_semantics = [#tpu.dimension_semantics<core_parallel>, #tpu.dimension_semantics<subcore_parallel>], iteration_bounds = array<i64: 2, 16>, scalar_prefetch = 0 : i64, scratch_operands = 23 : i64, tpu.core_type = #tpu.core_type<sc_vector_subcore>, window_params = [{transform_indices = #map}, {transform_indices = #map1}, {transform_indices = #map2}, {transform_indices = #map2}]} {
    %mul3A = arith.constant 16 : i32
    %mul3A_0 = arith.muli %arg0, %mul3A : i32
    %add3A = arith.addi %mul3A_0, %arg1 : i32
    %broadcast_in_dim3A = arith.constant 0.000000e+00 : bf16
    %broadcast_in_dim3A_1 = vector.broadcast %broadcast_in_dim3A : bf16 to vector<32xbf16>
    %run_scoped3A = arith.constant 0 : i32
    "tpu.region"() ({
      %run_scoped3A_118 = tpu.sem_alloc : memref<!tpu.dma_semaphore, #tpu.memory_space<semaphore_mem>>
      %dma_start3A_119 = arith.constant 0 : i32
      %dma_start3A_120 = arith.constant 0 : i32
      %dma_start3A_121 = tpu.memref_slice %arg3[%run_scoped3A, %add3A, %dma_start3A_119, %dma_start3A_120] : memref<2x32x125x80xi32, #tpu.memory_space<hbm>> -> memref<1x1x125x80xi32, #tpu.memory_space<hbm>>
      %dma_start3A_122 = tpu.memref_squeeze %dma_start3A_121 : memref<1x1x125x80xi32, #tpu.memory_space<hbm>> -> memref<125x80xi32, #tpu.memory_space<hbm>>
      %dma_start3A_123 = arith.constant 0 : i32
      %dma_start3A_124 = arith.constant 0 : i32
      %dma_start3A_125 = tpu.memref_slice %arg3[%run_scoped3A, %add3A, %dma_start3A_123, %dma_start3A_124] : memref<2x32x125x80xi32, #tpu.memory_space<hbm>> -> memref<1x1x125x80xi32, #tpu.memory_space<hbm>>
      %dma_start3A_126 = tpu.memref_squeeze %dma_start3A_125 : memref<1x1x125x80xi32, #tpu.memory_space<hbm>> -> memref<125x80xi32, #tpu.memory_space<hbm>>
      tpu.enqueue_dma source(%dma_start3A_126 : memref<125x80xi32, #tpu.memory_space<hbm>>) target(%arg6 : memref<125x80xi32, #tpu.memory_space<vmem>>) target_semaphore(%run_scoped3A_118 : memref<!tpu.dma_semaphore, #tpu.memory_space<semaphore_mem>>)
      %dma_wait3A_127 = arith.constant 0 : i32
      %dma_wait3A_128 = arith.constant 0 : i32
      %dma_wait3A_129 = tpu.memref_slice %arg3[%run_scoped3A, %add3A, %dma_wait3A_127, %dma_wait3A_128] : memref<2x32x125x80xi32, #tpu.memory_space<hbm>> -> memref<1x1x125x80xi32, #tpu.memory_space<hbm>>
      %dma_wait3A_130 = tpu.memref_squeeze %dma_wait3A_129 : memref<1x1x125x80xi32, #tpu.memory_space<hbm>> -> memref<125x80xi32, #tpu.memory_space<hbm>>
      %dma_wait3A_131 = arith.constant 0 : i32
      %dma_wait3A_132 = arith.constant 0 : i32
      %dma_wait3A_133 = tpu.memref_slice %arg3[%run_scoped3A, %add3A, %dma_wait3A_131, %dma_wait3A_132] : memref<2x32x125x80xi32, #tpu.memory_space<hbm>> -> memref<1x1x125x80xi32, #tpu.memory_space<hbm>>
      %dma_wait3A_134 = tpu.memref_squeeze %dma_wait3A_133 : memref<1x1x125x80xi32, #tpu.memory_space<hbm>> -> memref<125x80xi32, #tpu.memory_space<hbm>>
      tpu.wait_dma2 semaphore(%run_scoped3A_118 : memref<!tpu.dma_semaphore, #tpu.memory_space<semaphore_mem>>) src(%dma_wait3A_134 : memref<125x80xi32, #tpu.memory_space<hbm>>) dst(%arg6 : memref<125x80xi32, #tpu.memory_space<vmem>>)
      tpu.yield
    }) : () -> ()
    %run_scoped3A_2 = arith.constant 1 : i32
    "tpu.region"() ({
      %run_scoped3A_118 = tpu.sem_alloc : memref<!tpu.dma_semaphore, #tpu.memory_space<semaphore_mem>>
      %dma_start3A_119 = arith.constant 0 : i32
      %dma_start3A_120 = arith.constant 0 : i32
      %dma_start3A_121 = tpu.memref_slice %arg3[%run_scoped3A_2, %add3A, %dma_start3A_119, %dma_start3A_120] : memref<2x32x125x80xi32, #tpu.memory_space<hbm>> -> memref<1x1x125x80xi32, #tpu.memory_space<hbm>>
      %dma_start3A_122 = tpu.memref_squeeze %dma_start3A_121 : memref<1x1x125x80xi32, #tpu.memory_space<hbm>> -> memref<125x80xi32, #tpu.memory_space<hbm>>
      %dma_start3A_123 = arith.constant 0 : i32
      %dma_start3A_124 = arith.constant 0 : i32
      %dma_start3A_125 = tpu.memref_slice %arg3[%run_scoped3A_2, %add3A, %dma_start3A_123, %dma_start3A_124] : memref<2x32x125x80xi32, #tpu.memory_space<hbm>> -> memref<1x1x125x80xi32, #tpu.memory_space<hbm>>
      %dma_start3A_126 = tpu.memref_squeeze %dma_start3A_125 : memref<1x1x125x80xi32, #tpu.memory_space<hbm>> -> memref<125x80xi32, #tpu.memory_space<hbm>>
      tpu.enqueue_dma source(%dma_start3A_126 : memref<125x80xi32, #tpu.memory_space<hbm>>) target(%arg7 : memref<125x80xi32, #tpu.memory_space<vmem>>) target_semaphore(%run_scoped3A_118 : memref<!tpu.dma_semaphore, #tpu.memory_space<semaphore_mem>>)
      %dma_wait3A_127 = arith.constant 0 : i32
      %dma_wait3A_128 = arith.constant 0 : i32
      %dma_wait3A_129 = tpu.memref_slice %arg3[%run_scoped3A_2, %add3A, %dma_wait3A_127, %dma_wait3A_128] : memref<2x32x125x80xi32, #tpu.memory_space<hbm>> -> memref<1x1x125x80xi32, #tpu.memory_space<hbm>>
      %dma_wait3A_130 = tpu.memref_squeeze %dma_wait3A_129 : memref<1x1x125x80xi32, #tpu.memory_space<hbm>> -> memref<125x80xi32, #tpu.memory_space<hbm>>
      %dma_wait3A_131 = arith.constant 0 : i32
      %dma_wait3A_132 = arith.constant 0 : i32
      %dma_wait3A_133 = tpu.memref_slice %arg3[%run_scoped3A_2, %add3A, %dma_wait3A_131, %dma_wait3A_132] : memref<2x32x125x80xi32, #tpu.memory_space<hbm>> -> memref<1x1x125x80xi32, #tpu.memory_space<hbm>>
      %dma_wait3A_134 = tpu.memref_squeeze %dma_wait3A_133 : memref<1x1x125x80xi32, #tpu.memory_space<hbm>> -> memref<125x80xi32, #tpu.memory_space<hbm>>
      tpu.wait_dma2 semaphore(%run_scoped3A_118 : memref<!tpu.dma_semaphore, #tpu.memory_space<semaphore_mem>>) src(%dma_wait3A_134 : memref<125x80xi32, #tpu.memory_space<hbm>>) dst(%arg7 : memref<125x80xi32, #tpu.memory_space<vmem>>)
      tpu.yield
    }) : () -> ()
    %dma_start3A = arith.constant 0 : i32
    %dma_start3A_3 = arith.constant 0 : i32
    %dma_start3A_4 = tpu.memref_slice %arg6[%dma_start3A, %dma_start3A_3] : memref<125x80xi32, #tpu.memory_space<vmem>> -> memref<1x80xi32, #tpu.memory_space<vmem>>
    %dma_start3A_5 = tpu.memref_squeeze %dma_start3A_4 : memref<1x80xi32, #tpu.memory_space<vmem>> -> memref<80xi32, #tpu.memory_space<vmem>>
    %dma_start3A_6 = arith.constant 0 : i32
    %dma_start3A_7 = arith.constant 0 : i32
    %dma_start3A_8 = tpu.memref_slice %arg2[%dma_start3A_6, %dma_start3A_7] : memref<10000x128xbf16, #tpu.memory_space<hbm>> -> memref<10000x128xbf16, #tpu.memory_space<hbm>>
    tpu.enqueue_indirect_dma source(%dma_start3A_8 : memref<10000x128xbf16, #tpu.memory_space<hbm>>) target(%arg8 : memref<80x128xbf16, #tpu.memory_space<vmem>>) offsets(%dma_start3A_5 : memref<80xi32, #tpu.memory_space<vmem>>) semaphore(%arg18 : memref<!tpu.dma_semaphore, #tpu.memory_space<semaphore_mem>>)
    %dma_start3A_9 = arith.constant 1 : i32
    %dma_start3A_10 = arith.constant 0 : i32
    %dma_start3A_11 = tpu.memref_slice %arg6[%dma_start3A_9, %dma_start3A_10] : memref<125x80xi32, #tpu.memory_space<vmem>> -> memref<1x80xi32, #tpu.memory_space<vmem>>
    %dma_start3A_12 = tpu.memref_squeeze %dma_start3A_11 : memref<1x80xi32, #tpu.memory_space<vmem>> -> memref<80xi32, #tpu.memory_space<vmem>>
    %dma_start3A_13 = arith.constant 0 : i32
    %dma_start3A_14 = arith.constant 0 : i32
    %dma_start3A_15 = tpu.memref_slice %arg2[%dma_start3A_13, %dma_start3A_14] : memref<10000x128xbf16, #tpu.memory_space<hbm>> -> memref<10000x128xbf16, #tpu.memory_space<hbm>>
    tpu.enqueue_indirect_dma source(%dma_start3A_15 : memref<10000x128xbf16, #tpu.memory_space<hbm>>) target(%arg9 : memref<80x128xbf16, #tpu.memory_space<vmem>>) offsets(%dma_start3A_12 : memref<80xi32, #tpu.memory_space<vmem>>) semaphore(%arg19 : memref<!tpu.dma_semaphore, #tpu.memory_space<semaphore_mem>>)
    %dma_start3A_16 = arith.constant 2 : i32
    %dma_start3A_17 = arith.constant 0 : i32
    %dma_start3A_18 = tpu.memref_slice %arg6[%dma_start3A_16, %dma_start3A_17] : memref<125x80xi32, #tpu.memory_space<vmem>> -> memref<1x80xi32, #tpu.memory_space<vmem>>
    %dma_start3A_19 = tpu.memref_squeeze %dma_start3A_18 : memref<1x80xi32, #tpu.memory_space<vmem>> -> memref<80xi32, #tpu.memory_space<vmem>>
    %dma_start3A_20 = arith.constant 0 : i32
    %dma_start3A_21 = arith.constant 0 : i32
    %dma_start3A_22 = tpu.memref_slice %arg2[%dma_start3A_20, %dma_start3A_21] : memref<10000x128xbf16, #tpu.memory_space<hbm>> -> memref<10000x128xbf16, #tpu.memory_space<hbm>>
    tpu.enqueue_indirect_dma source(%dma_start3A_22 : memref<10000x128xbf16, #tpu.memory_space<hbm>>) target(%arg10 : memref<80x128xbf16, #tpu.memory_space<vmem>>) offsets(%dma_start3A_19 : memref<80xi32, #tpu.memory_space<vmem>>) semaphore(%arg20 : memref<!tpu.dma_semaphore, #tpu.memory_space<semaphore_mem>>)
    %scan3A = arith.constant 0 : i32
    %scan3A_23 = arith.constant 0 : i32
    %scan3A_24 = arith.constant 128 : i32
    %scan3A_25 = arith.addi %scan3A_23, %scan3A_24 : i32
    %scan3A_26 = arith.constant 1 : i32
    scf.for %scan3A_118 = %scan3A_23 to %scan3A_25 step %scan3A_26  : i32 {
      %swap3A = arith.index_cast %scan3A_118 : i32 to index
      %swap3A_119 = arith.constant 0 : index
      %swap3A_120 = tpu.vector_load %arg13[%swap3A, %swap3A_119] {strides = array<i32>} : memref<128x128xbf16, #tpu.memory_space<vmem>>, vector<1x32xbf16>,
      %swap3A_121 = vector.shape_cast %swap3A_120 : vector<1x32xbf16> to vector<32xbf16>
      %swap3A_122 = vector.shape_cast %broadcast_in_dim3A_1 : vector<32xbf16> to vector<1x32xbf16>
      tpu.vector_store %arg13[%swap3A, %swap3A_119], %swap3A_122 {strides = array<i32>} : memref<128x128xbf16, #tpu.memory_space<vmem>>, vector<1x32xbf16>,
      %swap3A_123 = arith.index_cast %scan3A_118 : i32 to index
      %swap3A_124 = arith.constant 32 : index
      %swap3A_125 = tpu.vector_load %arg13[%swap3A_123, %swap3A_124] {strides = array<i32>} : memref<128x128xbf16, #tpu.memory_space<vmem>>, vector<1x32xbf16>,
      %swap3A_126 = vector.shape_cast %swap3A_125 : vector<1x32xbf16> to vector<32xbf16>
      %swap3A_127 = vector.shape_cast %broadcast_in_dim3A_1 : vector<32xbf16> to vector<1x32xbf16>
      tpu.vector_store %arg13[%swap3A_123, %swap3A_124], %swap3A_127 {strides = array<i32>} : memref<128x128xbf16, #tpu.memory_space<vmem>>, vector<1x32xbf16>,
      %swap3A_128 = arith.index_cast %scan3A_118 : i32 to index
      %swap3A_129 = arith.constant 64 : index
      %swap3A_130 = tpu.vector_load %arg13[%swap3A_128, %swap3A_129] {strides = array<i32>} : memref<128x128xbf16, #tpu.memory_space<vmem>>, vector<1x32xbf16>,
      %swap3A_131 = vector.shape_cast %swap3A_130 : vector<1x32xbf16> to vector<32xbf16>
      %swap3A_132 = vector.shape_cast %broadcast_in_dim3A_1 : vector<32xbf16> to vector<1x32xbf16>
      tpu.vector_store %arg13[%swap3A_128, %swap3A_129], %swap3A_132 {strides = array<i32>} : memref<128x128xbf16, #tpu.memory_space<vmem>>, vector<1x32xbf16>,
      %swap3A_133 = arith.index_cast %scan3A_118 : i32 to index
      %swap3A_134 = arith.constant 96 : index
      %swap3A_135 = tpu.vector_load %arg13[%swap3A_133, %swap3A_134] {strides = array<i32>} : memref<128x128xbf16, #tpu.memory_space<vmem>>, vector<1x32xbf16>,
      %swap3A_136 = vector.shape_cast %swap3A_135 : vector<1x32xbf16> to vector<32xbf16>
      %swap3A_137 = vector.shape_cast %broadcast_in_dim3A_1 : vector<32xbf16> to vector<1x32xbf16>
      tpu.vector_store %arg13[%swap3A_133, %swap3A_134], %swap3A_137 {strides = array<i32>} : memref<128x128xbf16, #tpu.memory_space<vmem>>, vector<1x32xbf16>,
    }
    %scan3A_27 = arith.constant 128 : i32
    %mul3A_28 = arith.constant 640 : i32
    %mul3A_29 = arith.muli %arg1, %mul3A_28 : i32
    %add3A_30 = arith.constant 0 : i32
    %add3A_31 = arith.addi %mul3A_29, %add3A_30 : i32
    "tpu.region"() ({
      %run_scoped3A_118 = tpu.sem_alloc : memref<!tpu.dma_semaphore, #tpu.memory_space<semaphore_mem>>
      %dma_start3A_119 = arith.constant 0 : i32
      %dma_start3A_120 = tpu.memref_slice %arg16[%add3A_31, %dma_start3A_119] : memref<10240x128xbf16, #tpu.memory_space<vmem_shared>> -> memref<128x128xbf16, #tpu.memory_space<vmem_shared>>
      %dma_start3A_121 = arith.constant 0 : i32
      %dma_start3A_122 = tpu.memref_slice %arg16[%add3A_31, %dma_start3A_121] : memref<10240x128xbf16, #tpu.memory_space<vmem_shared>> -> memref<128x128xbf16, #tpu.memory_space<vmem_shared>>
      tpu.enqueue_dma source(%arg13 : memref<128x128xbf16, #tpu.memory_space<vmem>>) target(%dma_start3A_122 : memref<128x128xbf16, #tpu.memory_space<vmem_shared>>) target_semaphore(%run_scoped3A_118 : memref<!tpu.dma_semaphore, #tpu.memory_space<semaphore_mem>>)
      %dma_wait3A_123 = arith.constant 0 : i32
      %dma_wait3A_124 = tpu.memref_slice %arg16[%add3A_31, %dma_wait3A_123] : memref<10240x128xbf16, #tpu.memory_space<vmem_shared>> -> memref<128x128xbf16, #tpu.memory_space<vmem_shared>>
      %dma_wait3A_125 = arith.constant 0 : i32
      %dma_wait3A_126 = tpu.memref_slice %arg16[%add3A_31, %dma_wait3A_125] : memref<10240x128xbf16, #tpu.memory_space<vmem_shared>> -> memref<128x128xbf16, #tpu.memory_space<vmem_shared>>
      tpu.wait_dma2 semaphore(%run_scoped3A_118 : memref<!tpu.dma_semaphore, #tpu.memory_space<semaphore_mem>>) src(%arg13 : memref<128x128xbf16, #tpu.memory_space<vmem>>) dst(%dma_wait3A_126 : memref<128x128xbf16, #tpu.memory_space<vmem_shared>>)
      tpu.yield
    }) : () -> ()
    %mul3A_32 = arith.constant 640 : i32
    %mul3A_33 = arith.muli %arg1, %mul3A_32 : i32
    %add3A_34 = arith.constant 128 : i32
    %add3A_35 = arith.addi %mul3A_33, %add3A_34 : i32
    "tpu.region"() ({
      %run_scoped3A_118 = tpu.sem_alloc : memref<!tpu.dma_semaphore, #tpu.memory_space<semaphore_mem>>
      %dma_start3A_119 = arith.constant 0 : i32
      %dma_start3A_120 = tpu.memref_slice %arg16[%add3A_35, %dma_start3A_119] : memref<10240x128xbf16, #tpu.memory_space<vmem_shared>> -> memref<128x128xbf16, #tpu.memory_space<vmem_shared>>
      %dma_start3A_121 = arith.constant 0 : i32
      %dma_start3A_122 = tpu.memref_slice %arg16[%add3A_35, %dma_start3A_121] : memref<10240x128xbf16, #tpu.memory_space<vmem_shared>> -> memref<128x128xbf16, #tpu.memory_space<vmem_shared>>
      tpu.enqueue_dma source(%arg13 : memref<128x128xbf16, #tpu.memory_space<vmem>>) target(%dma_start3A_122 : memref<128x128xbf16, #tpu.memory_space<vmem_shared>>) target_semaphore(%run_scoped3A_118 : memref<!tpu.dma_semaphore, #tpu.memory_space<semaphore_mem>>)
      %dma_wait3A_123 = arith.constant 0 : i32
      %dma_wait3A_124 = tpu.memref_slice %arg16[%add3A_35, %dma_wait3A_123] : memref<10240x128xbf16, #tpu.memory_space<vmem_shared>> -> memref<128x128xbf16, #tpu.memory_space<vmem_shared>>
      %dma_wait3A_125 = arith.constant 0 : i32
      %dma_wait3A_126 = tpu.memref_slice %arg16[%add3A_35, %dma_wait3A_125] : memref<10240x128xbf16, #tpu.memory_space<vmem_shared>> -> memref<128x128xbf16, #tpu.memory_space<vmem_shared>>
      tpu.wait_dma2 semaphore(%run_scoped3A_118 : memref<!tpu.dma_semaphore, #tpu.memory_space<semaphore_mem>>) src(%arg13 : memref<128x128xbf16, #tpu.memory_space<vmem>>) dst(%dma_wait3A_126 : memref<128x128xbf16, #tpu.memory_space<vmem_shared>>)
      tpu.yield
    }) : () -> ()
    %mul3A_36 = arith.constant 640 : i32
    %mul3A_37 = arith.muli %arg1, %mul3A_36 : i32
    %add3A_38 = arith.constant 256 : i32
    %add3A_39 = arith.addi %mul3A_37, %add3A_38 : i32
    "tpu.region"() ({
      %run_scoped3A_118 = tpu.sem_alloc : memref<!tpu.dma_semaphore, #tpu.memory_space<semaphore_mem>>
      %dma_start3A_119 = arith.constant 0 : i32
      %dma_start3A_120 = tpu.memref_slice %arg16[%add3A_39, %dma_start3A_119] : memref<10240x128xbf16, #tpu.memory_space<vmem_shared>> -> memref<128x128xbf16, #tpu.memory_space<vmem_shared>>
      %dma_start3A_121 = arith.constant 0 : i32
      %dma_start3A_122 = tpu.memref_slice %arg16[%add3A_39, %dma_start3A_121] : memref<10240x128xbf16, #tpu.memory_space<vmem_shared>> -> memref<128x128xbf16, #tpu.memory_space<vmem_shared>>
      tpu.enqueue_dma source(%arg13 : memref<128x128xbf16, #tpu.memory_space<vmem>>) target(%dma_start3A_122 : memref<128x128xbf16, #tpu.memory_space<vmem_shared>>) target_semaphore(%run_scoped3A_118 : memref<!tpu.dma_semaphore, #tpu.memory_space<semaphore_mem>>)
      %dma_wait3A_123 = arith.constant 0 : i32
      %dma_wait3A_124 = tpu.memref_slice %arg16[%add3A_39, %dma_wait3A_123] : memref<10240x128xbf16, #tpu.memory_space<vmem_shared>> -> memref<128x128xbf16, #tpu.memory_space<vmem_shared>>
      %dma_wait3A_125 = arith.constant 0 : i32
      %dma_wait3A_126 = tpu.memref_slice %arg16[%add3A_39, %dma_wait3A_125] : memref<10240x128xbf16, #tpu.memory_space<vmem_shared>> -> memref<128x128xbf16, #tpu.memory_space<vmem_shared>>
      tpu.wait_dma2 semaphore(%run_scoped3A_118 : memref<!tpu.dma_semaphore, #tpu.memory_space<semaphore_mem>>) src(%arg13 : memref<128x128xbf16, #tpu.memory_space<vmem>>) dst(%dma_wait3A_126 : memref<128x128xbf16, #tpu.memory_space<vmem_shared>>)
      tpu.yield
    }) : () -> ()
    %mul3A_40 = arith.constant 640 : i32
    %mul3A_41 = arith.muli %arg1, %mul3A_40 : i32
    %add3A_42 = arith.constant 384 : i32
    %add3A_43 = arith.addi %mul3A_41, %add3A_42 : i32
    "tpu.region"() ({
      %run_scoped3A_118 = tpu.sem_alloc : memref<!tpu.dma_semaphore, #tpu.memory_space<semaphore_mem>>
      %dma_start3A_119 = arith.constant 0 : i32
      %dma_start3A_120 = tpu.memref_slice %arg16[%add3A_43, %dma_start3A_119] : memref<10240x128xbf16, #tpu.memory_space<vmem_shared>> -> memref<128x128xbf16, #tpu.memory_space<vmem_shared>>
      %dma_start3A_121 = arith.constant 0 : i32
      %dma_start3A_122 = tpu.memref_slice %arg16[%add3A_43, %dma_start3A_121] : memref<10240x128xbf16, #tpu.memory_space<vmem_shared>> -> memref<128x128xbf16, #tpu.memory_space<vmem_shared>>
      tpu.enqueue_dma source(%arg13 : memref<128x128xbf16, #tpu.memory_space<vmem>>) target(%dma_start3A_122 : memref<128x128xbf16, #tpu.memory_space<vmem_shared>>) target_semaphore(%run_scoped3A_118 : memref<!tpu.dma_semaphore, #tpu.memory_space<semaphore_mem>>)
      %dma_wait3A_123 = arith.constant 0 : i32
      %dma_wait3A_124 = tpu.memref_slice %arg16[%add3A_43, %dma_wait3A_123] : memref<10240x128xbf16, #tpu.memory_space<vmem_shared>> -> memref<128x128xbf16, #tpu.memory_space<vmem_shared>>
      %dma_wait3A_125 = arith.constant 0 : i32
      %dma_wait3A_126 = tpu.memref_slice %arg16[%add3A_43, %dma_wait3A_125] : memref<10240x128xbf16, #tpu.memory_space<vmem_shared>> -> memref<128x128xbf16, #tpu.memory_space<vmem_shared>>
      tpu.wait_dma2 semaphore(%run_scoped3A_118 : memref<!tpu.dma_semaphore, #tpu.memory_space<semaphore_mem>>) src(%arg13 : memref<128x128xbf16, #tpu.memory_space<vmem>>) dst(%dma_wait3A_126 : memref<128x128xbf16, #tpu.memory_space<vmem_shared>>)
      tpu.yield
    }) : () -> ()
    %mul3A_44 = arith.constant 640 : i32
    %mul3A_45 = arith.muli %arg1, %mul3A_44 : i32
    %add3A_46 = arith.constant 512 : i32
    %add3A_47 = arith.addi %mul3A_45, %add3A_46 : i32
    "tpu.region"() ({
      %run_scoped3A_118 = tpu.sem_alloc : memref<!tpu.dma_semaphore, #tpu.memory_space<semaphore_mem>>
      %dma_start3A_119 = arith.constant 0 : i32
      %dma_start3A_120 = tpu.memref_slice %arg16[%add3A_47, %dma_start3A_119] : memref<10240x128xbf16, #tpu.memory_space<vmem_shared>> -> memref<128x128xbf16, #tpu.memory_space<vmem_shared>>
      %dma_start3A_121 = arith.constant 0 : i32
      %dma_start3A_122 = tpu.memref_slice %arg16[%add3A_47, %dma_start3A_121] : memref<10240x128xbf16, #tpu.memory_space<vmem_shared>> -> memref<128x128xbf16, #tpu.memory_space<vmem_shared>>
      tpu.enqueue_dma source(%arg13 : memref<128x128xbf16, #tpu.memory_space<vmem>>) target(%dma_start3A_122 : memref<128x128xbf16, #tpu.memory_space<vmem_shared>>) target_semaphore(%run_scoped3A_118 : memref<!tpu.dma_semaphore, #tpu.memory_space<semaphore_mem>>)
      %dma_wait3A_123 = arith.constant 0 : i32
      %dma_wait3A_124 = tpu.memref_slice %arg16[%add3A_47, %dma_wait3A_123] : memref<10240x128xbf16, #tpu.memory_space<vmem_shared>> -> memref<128x128xbf16, #tpu.memory_space<vmem_shared>>
      %dma_wait3A_125 = arith.constant 0 : i32
      %dma_wait3A_126 = tpu.memref_slice %arg16[%add3A_47, %dma_wait3A_125] : memref<10240x128xbf16, #tpu.memory_space<vmem_shared>> -> memref<128x128xbf16, #tpu.memory_space<vmem_shared>>
      tpu.wait_dma2 semaphore(%run_scoped3A_118 : memref<!tpu.dma_semaphore, #tpu.memory_space<semaphore_mem>>) src(%arg13 : memref<128x128xbf16, #tpu.memory_space<vmem>>) dst(%dma_wait3A_126 : memref<128x128xbf16, #tpu.memory_space<vmem_shared>>)
      tpu.yield
    }) : () -> ()
    %broadcast_in_dim3A_48 = arith.constant 0.000000e+00 : f32
    %broadcast_in_dim3A_49 = vector.broadcast %broadcast_in_dim3A_48 : f32 to vector<16xf32>
    %broadcast_in_dim3A_50 = arith.constant 1.000000e+00 : f32
    %broadcast_in_dim3A_51 = vector.broadcast %broadcast_in_dim3A_50 : f32 to vector<16xf32>
    %scan3A_52 = arith.constant 0 : i32
    %scan3A_53 = arith.constant 0 : i32
    %scan3A_54 = arith.constant 128 : i32
    %scan3A_55 = arith.addi %scan3A_53, %scan3A_54 : i32
    %scan3A_56 = arith.constant 1 : i32
    scf.for %scan3A_118 = %scan3A_53 to %scan3A_55 step %scan3A_56  : i32 {
      %swap3A = arith.index_cast %scan3A_118 : i32 to index
      %swap3A_119 = arith.constant 0 : index
      %swap3A_120 = tpu.vector_load %arg15[%swap3A, %swap3A_119] {strides = array<i32>} : memref<128x16xf32, #tpu.memory_space<vmem>>, vector<1x16xf32>,
      %swap3A_121 = vector.shape_cast %swap3A_120 : vector<1x16xf32> to vector<16xf32>
      %swap3A_122 = vector.shape_cast %broadcast_in_dim3A_49 : vector<16xf32> to vector<1x16xf32>
      tpu.vector_store %arg15[%swap3A, %swap3A_119], %swap3A_122 {strides = array<i32>} : memref<128x16xf32, #tpu.memory_space<vmem>>, vector<1x16xf32>,
    }
    %scan3A_57 = arith.constant 128 : i32
    %mul3A_58 = arith.constant 640 : i32
    %mul3A_59 = arith.muli %arg1, %mul3A_58 : i32
    %add3A_60 = arith.constant 0 : i32
    %add3A_61 = arith.addi %mul3A_59, %add3A_60 : i32
    "tpu.region"() ({
      %run_scoped3A_118 = tpu.sem_alloc : memref<!tpu.dma_semaphore, #tpu.memory_space<semaphore_mem>>
      %dma_start3A_119 = arith.constant 0 : i32
      %dma_start3A_120 = tpu.memref_slice %arg17[%add3A_61, %dma_start3A_119] : memref<10240x16xf32, #tpu.memory_space<vmem_shared>> -> memref<128x16xf32, #tpu.memory_space<vmem_shared>>
      %dma_start3A_121 = arith.constant 0 : i32
      %dma_start3A_122 = tpu.memref_slice %arg17[%add3A_61, %dma_start3A_121] : memref<10240x16xf32, #tpu.memory_space<vmem_shared>> -> memref<128x16xf32, #tpu.memory_space<vmem_shared>>
      tpu.enqueue_dma source(%arg15 : memref<128x16xf32, #tpu.memory_space<vmem>>) target(%dma_start3A_122 : memref<128x16xf32, #tpu.memory_space<vmem_shared>>) target_semaphore(%run_scoped3A_118 : memref<!tpu.dma_semaphore, #tpu.memory_space<semaphore_mem>>)
      %dma_wait3A_123 = arith.constant 0 : i32
      %dma_wait3A_124 = tpu.memref_slice %arg17[%add3A_61, %dma_wait3A_123] : memref<10240x16xf32, #tpu.memory_space<vmem_shared>> -> memref<128x16xf32, #tpu.memory_space<vmem_shared>>
      %dma_wait3A_125 = arith.constant 0 : i32
      %dma_wait3A_126 = tpu.memref_slice %arg17[%add3A_61, %dma_wait3A_125] : memref<10240x16xf32, #tpu.memory_space<vmem_shared>> -> memref<128x16xf32, #tpu.memory_space<vmem_shared>>
      tpu.wait_dma2 semaphore(%run_scoped3A_118 : memref<!tpu.dma_semaphore, #tpu.memory_space<semaphore_mem>>) src(%arg15 : memref<128x16xf32, #tpu.memory_space<vmem>>) dst(%dma_wait3A_126 : memref<128x16xf32, #tpu.memory_space<vmem_shared>>)
      tpu.yield
    }) : () -> ()
    %mul3A_62 = arith.constant 640 : i32
    %mul3A_63 = arith.muli %arg1, %mul3A_62 : i32
    %add3A_64 = arith.constant 128 : i32
    %add3A_65 = arith.addi %mul3A_63, %add3A_64 : i32
    "tpu.region"() ({
      %run_scoped3A_118 = tpu.sem_alloc : memref<!tpu.dma_semaphore, #tpu.memory_space<semaphore_mem>>
      %dma_start3A_119 = arith.constant 0 : i32
      %dma_start3A_120 = tpu.memref_slice %arg17[%add3A_65, %dma_start3A_119] : memref<10240x16xf32, #tpu.memory_space<vmem_shared>> -> memref<128x16xf32, #tpu.memory_space<vmem_shared>>
      %dma_start3A_121 = arith.constant 0 : i32
      %dma_start3A_122 = tpu.memref_slice %arg17[%add3A_65, %dma_start3A_121] : memref<10240x16xf32, #tpu.memory_space<vmem_shared>> -> memref<128x16xf32, #tpu.memory_space<vmem_shared>>
      tpu.enqueue_dma source(%arg15 : memref<128x16xf32, #tpu.memory_space<vmem>>) target(%dma_start3A_122 : memref<128x16xf32, #tpu.memory_space<vmem_shared>>) target_semaphore(%run_scoped3A_118 : memref<!tpu.dma_semaphore, #tpu.memory_space<semaphore_mem>>)
      %dma_wait3A_123 = arith.constant 0 : i32
      %dma_wait3A_124 = tpu.memref_slice %arg17[%add3A_65, %dma_wait3A_123] : memref<10240x16xf32, #tpu.memory_space<vmem_shared>> -> memref<128x16xf32, #tpu.memory_space<vmem_shared>>
      %dma_wait3A_125 = arith.constant 0 : i32
      %dma_wait3A_126 = tpu.memref_slice %arg17[%add3A_65, %dma_wait3A_125] : memref<10240x16xf32, #tpu.memory_space<vmem_shared>> -> memref<128x16xf32, #tpu.memory_space<vmem_shared>>
      tpu.wait_dma2 semaphore(%run_scoped3A_118 : memref<!tpu.dma_semaphore, #tpu.memory_space<semaphore_mem>>) src(%arg15 : memref<128x16xf32, #tpu.memory_space<vmem>>) dst(%dma_wait3A_126 : memref<128x16xf32, #tpu.memory_space<vmem_shared>>)
      tpu.yield
    }) : () -> ()
    %mul3A_66 = arith.constant 640 : i32
    %mul3A_67 = arith.muli %arg1, %mul3A_66 : i32
    %add3A_68 = arith.constant 256 : i32
    %add3A_69 = arith.addi %mul3A_67, %add3A_68 : i32
    "tpu.region"() ({
      %run_scoped3A_118 = tpu.sem_alloc : memref<!tpu.dma_semaphore, #tpu.memory_space<semaphore_mem>>
      %dma_start3A_119 = arith.constant 0 : i32
      %dma_start3A_120 = tpu.memref_slice %arg17[%add3A_69, %dma_start3A_119] : memref<10240x16xf32, #tpu.memory_space<vmem_shared>> -> memref<128x16xf32, #tpu.memory_space<vmem_shared>>
      %dma_start3A_121 = arith.constant 0 : i32
      %dma_start3A_122 = tpu.memref_slice %arg17[%add3A_69, %dma_start3A_121] : memref<10240x16xf32, #tpu.memory_space<vmem_shared>> -> memref<128x16xf32, #tpu.memory_space<vmem_shared>>
      tpu.enqueue_dma source(%arg15 : memref<128x16xf32, #tpu.memory_space<vmem>>) target(%dma_start3A_122 : memref<128x16xf32, #tpu.memory_space<vmem_shared>>) target_semaphore(%run_scoped3A_118 : memref<!tpu.dma_semaphore, #tpu.memory_space<semaphore_mem>>)
      %dma_wait3A_123 = arith.constant 0 : i32
      %dma_wait3A_124 = tpu.memref_slice %arg17[%add3A_69, %dma_wait3A_123] : memref<10240x16xf32, #tpu.memory_space<vmem_shared>> -> memref<128x16xf32, #tpu.memory_space<vmem_shared>>
      %dma_wait3A_125 = arith.constant 0 : i32
      %dma_wait3A_126 = tpu.memref_slice %arg17[%add3A_69, %dma_wait3A_125] : memref<10240x16xf32, #tpu.memory_space<vmem_shared>> -> memref<128x16xf32, #tpu.memory_space<vmem_shared>>
      tpu.wait_dma2 semaphore(%run_scoped3A_118 : memref<!tpu.dma_semaphore, #tpu.memory_space<semaphore_mem>>) src(%arg15 : memref<128x16xf32, #tpu.memory_space<vmem>>) dst(%dma_wait3A_126 : memref<128x16xf32, #tpu.memory_space<vmem_shared>>)
      tpu.yield
    }) : () -> ()
    %mul3A_70 = arith.constant 640 : i32
    %mul3A_71 = arith.muli %arg1, %mul3A_70 : i32
    %add3A_72 = arith.constant 384 : i32
    %add3A_73 = arith.addi %mul3A_71, %add3A_72 : i32
    "tpu.region"() ({
      %run_scoped3A_118 = tpu.sem_alloc : memref<!tpu.dma_semaphore, #tpu.memory_space<semaphore_mem>>
      %dma_start3A_119 = arith.constant 0 : i32
      %dma_start3A_120 = tpu.memref_slice %arg17[%add3A_73, %dma_start3A_119] : memref<10240x16xf32, #tpu.memory_space<vmem_shared>> -> memref<128x16xf32, #tpu.memory_space<vmem_shared>>
      %dma_start3A_121 = arith.constant 0 : i32
      %dma_start3A_122 = tpu.memref_slice %arg17[%add3A_73, %dma_start3A_121] : memref<10240x16xf32, #tpu.memory_space<vmem_shared>> -> memref<128x16xf32, #tpu.memory_space<vmem_shared>>
      tpu.enqueue_dma source(%arg15 : memref<128x16xf32, #tpu.memory_space<vmem>>) target(%dma_start3A_122 : memref<128x16xf32, #tpu.memory_space<vmem_shared>>) target_semaphore(%run_scoped3A_118 : memref<!tpu.dma_semaphore, #tpu.memory_space<semaphore_mem>>)
      %dma_wait3A_123 = arith.constant 0 : i32
      %dma_wait3A_124 = tpu.memref_slice %arg17[%add3A_73, %dma_wait3A_123] : memref<10240x16xf32, #tpu.memory_space<vmem_shared>> -> memref<128x16xf32, #tpu.memory_space<vmem_shared>>
      %dma_wait3A_125 = arith.constant 0 : i32
      %dma_wait3A_126 = tpu.memref_slice %arg17[%add3A_73, %dma_wait3A_125] : memref<10240x16xf32, #tpu.memory_space<vmem_shared>> -> memref<128x16xf32, #tpu.memory_space<vmem_shared>>
      tpu.wait_dma2 semaphore(%run_scoped3A_118 : memref<!tpu.dma_semaphore, #tpu.memory_space<semaphore_mem>>) src(%arg15 : memref<128x16xf32, #tpu.memory_space<vmem>>) dst(%dma_wait3A_126 : memref<128x16xf32, #tpu.memory_space<vmem_shared>>)
      tpu.yield
    }) : () -> ()
    %mul3A_74 = arith.constant 640 : i32
    %mul3A_75 = arith.muli %arg1, %mul3A_74 : i32
    %add3A_76 = arith.constant 512 : i32
    %add3A_77 = arith.addi %mul3A_75, %add3A_76 : i32
    "tpu.region"() ({
      %run_scoped3A_118 = tpu.sem_alloc : memref<!tpu.dma_semaphore, #tpu.memory_space<semaphore_mem>>
      %dma_start3A_119 = arith.constant 0 : i32
      %dma_start3A_120 = tpu.memref_slice %arg17[%add3A_77, %dma_start3A_119] : memref<10240x16xf32, #tpu.memory_space<vmem_shared>> -> memref<128x16xf32, #tpu.memory_space<vmem_shared>>
      %dma_start3A_121 = arith.constant 0 : i32
      %dma_start3A_122 = tpu.memref_slice %arg17[%add3A_77, %dma_start3A_121] : memref<10240x16xf32, #tpu.memory_space<vmem_shared>> -> memref<128x16xf32, #tpu.memory_space<vmem_shared>>
      tpu.enqueue_dma source(%arg15 : memref<128x16xf32, #tpu.memory_space<vmem>>) target(%dma_start3A_122 : memref<128x16xf32, #tpu.memory_space<vmem_shared>>) target_semaphore(%run_scoped3A_118 : memref<!tpu.dma_semaphore, #tpu.memory_space<semaphore_mem>>)
      %dma_wait3A_123 = arith.constant 0 : i32
      %dma_wait3A_124 = tpu.memref_slice %arg17[%add3A_77, %dma_wait3A_123] : memref<10240x16xf32, #tpu.memory_space<vmem_shared>> -> memref<128x16xf32, #tpu.memory_space<vmem_shared>>
      %dma_wait3A_125 = arith.constant 0 : i32
      %dma_wait3A_126 = tpu.memref_slice %arg17[%add3A_77, %dma_wait3A_125] : memref<10240x16xf32, #tpu.memory_space<vmem_shared>> -> memref<128x16xf32, #tpu.memory_space<vmem_shared>>
      tpu.wait_dma2 semaphore(%run_scoped3A_118 : memref<!tpu.dma_semaphore, #tpu.memory_space<semaphore_mem>>) src(%arg15 : memref<128x16xf32, #tpu.memory_space<vmem>>) dst(%dma_wait3A_126 : memref<128x16xf32, #tpu.memory_space<vmem_shared>>)
      tpu.yield
    }) : () -> ()
    %scan3A_78 = arith.constant 0 : i32
    %scan3A_79 = arith.constant 0 : i32
    %scan3A_80 = arith.constant 80 : i32
    %scan3A_81 = arith.addi %scan3A_79, %scan3A_80 : i32
    %scan3A_82 = arith.constant 1 : i32
    scf.for %scan3A_118 = %scan3A_79 to %scan3A_81 step %scan3A_82  : i32 {
      %swap3A = arith.index_cast %scan3A_118 : i32 to index
      %swap3A_119 = arith.constant 0 : index
      %swap3A_120 = tpu.vector_load %arg14[%swap3A, %swap3A_119] {strides = array<i32>} : memref<80x16xf32, #tpu.memory_space<vmem>>, vector<1x16xf32>,
      %swap3A_121 = vector.shape_cast %swap3A_120 : vector<1x16xf32> to vector<16xf32>
      %swap3A_122 = vector.shape_cast %broadcast_in_dim3A_51 : vector<16xf32> to vector<1x16xf32>
      tpu.vector_store %arg14[%swap3A, %swap3A_119], %swap3A_122 {strides = array<i32>} : memref<80x16xf32, #tpu.memory_space<vmem>>, vector<1x16xf32>,
    }
    %scan3A_83 = arith.constant 80 : i32
    %barrier3A = arith.constant 0 : index
    tpu.barrier barrier_id(%barrier3A)
    %scan3A_84 = arith.constant 0 : i32
    %scan3A_85 = arith.constant 0 : i32
    %scan3A_86 = arith.constant 25 : i32
    %scan3A_87 = arith.addi %scan3A_85, %scan3A_86 : i32
    %scan3A_88 = arith.constant 1 : i32
    scf.for %scan3A_118 = %scan3A_85 to %scan3A_87 step %scan3A_88  : i32 {
      %mul3A_119 = arith.constant 5 : i32
      %mul3A_120 = arith.muli %mul3A_119, %scan3A_118 : i32
      %add3A_121 = arith.constant 0 : i32
      %add3A_122 = arith.addi %mul3A_120, %add3A_121 : i32
      %dma_wait3A_123 = arith.constant 0 : i32
      %dma_wait3A_124 = tpu.memref_slice %arg6[%add3A_122, %dma_wait3A_123] : memref<125x80xi32, #tpu.memory_space<vmem>> -> memref<1x80xi32, #tpu.memory_space<vmem>>
      %dma_wait3A_125 = tpu.memref_squeeze %dma_wait3A_124 : memref<1x80xi32, #tpu.memory_space<vmem>> -> memref<80xi32, #tpu.memory_space<vmem>>
      %dma_wait3A_126 = arith.constant 0 : i32
      %dma_wait3A_127 = arith.constant 0 : i32
      %dma_wait3A_128 = tpu.memref_slice %arg2[%dma_wait3A_126, %dma_wait3A_127] : memref<10000x128xbf16, #tpu.memory_space<hbm>> -> memref<10000x128xbf16, #tpu.memory_space<hbm>>
      tpu.wait_indirect_dma semaphore(%arg18 : memref<!tpu.dma_semaphore, #tpu.memory_space<semaphore_mem>>) src(%dma_wait3A_128 : memref<10000x128xbf16, #tpu.memory_space<hbm>>) dst(%arg8 : memref<80x128xbf16, #tpu.memory_space<vmem>>)
      %dma_start3A_129 = arith.constant 0 : i32
      %dma_start3A_130 = tpu.memref_slice %arg7[%add3A_122, %dma_start3A_129] : memref<125x80xi32, #tpu.memory_space<vmem>> -> memref<1x80xi32, #tpu.memory_space<vmem>>
      %dma_start3A_131 = tpu.memref_squeeze %dma_start3A_130 : memref<1x80xi32, #tpu.memory_space<vmem>> -> memref<80xi32, #tpu.memory_space<vmem>>
      %dma_start3A_132 = arith.constant 0 : i32
      %dma_start3A_133 = arith.constant 0 : i32
      %dma_start3A_134 = tpu.memref_slice %arg16[%dma_start3A_132, %dma_start3A_133] : memref<10240x128xbf16, #tpu.memory_space<vmem_shared>> -> memref<10240x128xbf16, #tpu.memory_space<vmem_shared>>
      tpu.enqueue_indirect_dma source(%arg8 : memref<80x128xbf16, #tpu.memory_space<vmem>>) target(%dma_start3A_134 : memref<10240x128xbf16, #tpu.memory_space<vmem_shared>>) offsets(%dma_start3A_131 : memref<80xi32, #tpu.memory_space<vmem>>) semaphore(%arg23 : memref<!tpu.dma_semaphore, #tpu.memory_space<semaphore_mem>>) {add = true}
      %dma_start3A_135 = arith.constant 0 : i32
      %dma_start3A_136 = tpu.memref_slice %arg7[%add3A_122, %dma_start3A_135] : memref<125x80xi32, #tpu.memory_space<vmem>> -> memref<1x80xi32, #tpu.memory_space<vmem>>
      %dma_start3A_137 = tpu.memref_squeeze %dma_start3A_136 : memref<1x80xi32, #tpu.memory_space<vmem>> -> memref<80xi32, #tpu.memory_space<vmem>>
      %dma_start3A_138 = arith.constant 0 : i32
      %dma_start3A_139 = arith.constant 0 : i32
      %dma_start3A_140 = tpu.memref_slice %arg17[%dma_start3A_138, %dma_start3A_139] : memref<10240x16xf32, #tpu.memory_space<vmem_shared>> -> memref<10240x16xf32, #tpu.memory_space<vmem_shared>>
      tpu.enqueue_indirect_dma source(%arg14 : memref<80x16xf32, #tpu.memory_space<vmem>>) target(%dma_start3A_140 : memref<10240x16xf32, #tpu.memory_space<vmem_shared>>) offsets(%dma_start3A_137 : memref<80xi32, #tpu.memory_space<vmem>>) semaphore(%arg28 : memref<!tpu.dma_semaphore, #tpu.memory_space<semaphore_mem>>) {add = true}
      %ge3A = arith.constant 2 : i32
      %ge3A_141 = arith.cmpi sge, %add3A_122, %ge3A : i32
      %convert_element_type3A = arith.extui %ge3A_141 : i1 to i32
      %cond3A = arith.constant 0 : i32
      %cond3A_142 = arith.cmpi ne, %convert_element_type3A, %cond3A : i32
      scf.if %cond3A_142 {
        %sub3A = arith.constant 2 : i32
        %sub3A_285 = arith.subi %add3A_122, %sub3A : i32
        %dma_wait3A_286 = arith.constant 0 : i32
        %dma_wait3A_287 = tpu.memref_slice %arg7[%sub3A_285, %dma_wait3A_286] : memref<125x80xi32, #tpu.memory_space<vmem>> -> memref<1x80xi32, #tpu.memory_space<vmem>>
        %dma_wait3A_288 = tpu.memref_squeeze %dma_wait3A_287 : memref<1x80xi32, #tpu.memory_space<vmem>> -> memref<80xi32, #tpu.memory_space<vmem>>
        %dma_wait3A_289 = arith.constant 0 : i32
        %dma_wait3A_290 = arith.constant 0 : i32
        %dma_wait3A_291 = tpu.memref_slice %arg16[%dma_wait3A_289, %dma_wait3A_290] : memref<10240x128xbf16, #tpu.memory_space<vmem_shared>> -> memref<10240x128xbf16, #tpu.memory_space<vmem_shared>>
        tpu.wait_indirect_dma semaphore(%arg26 : memref<!tpu.dma_semaphore, #tpu.memory_space<semaphore_mem>>) src(%arg11 : memref<80x128xbf16, #tpu.memory_space<vmem>>) dst(%dma_wait3A_291 : memref<10240x128xbf16, #tpu.memory_space<vmem_shared>>)
      } else {
      }
      %add3A_143 = arith.constant 3 : i32
      %add3A_144 = arith.addi %add3A_122, %add3A_143 : i32
      %lt3A = arith.constant 125 : i32
      %lt3A_145 = arith.cmpi slt, %add3A_144, %lt3A : i32
      %convert_element_type3A_146 = arith.extui %lt3A_145 : i1 to i32
      %cond3A_147 = arith.constant 0 : i32
      %cond3A_148 = arith.cmpi ne, %convert_element_type3A_146, %cond3A_147 : i32
      scf.if %cond3A_148 {
        %add3A_285 = arith.constant 3 : i32
        %add3A_286 = arith.addi %add3A_122, %add3A_285 : i32
        %dma_start3A_287 = arith.constant 0 : i32
        %dma_start3A_288 = tpu.memref_slice %arg6[%add3A_286, %dma_start3A_287] : memref<125x80xi32, #tpu.memory_space<vmem>> -> memref<1x80xi32, #tpu.memory_space<vmem>>
        %dma_start3A_289 = tpu.memref_squeeze %dma_start3A_288 : memref<1x80xi32, #tpu.memory_space<vmem>> -> memref<80xi32, #tpu.memory_space<vmem>>
        %dma_start3A_290 = arith.constant 0 : i32
        %dma_start3A_291 = arith.constant 0 : i32
        %dma_start3A_292 = tpu.memref_slice %arg2[%dma_start3A_290, %dma_start3A_291] : memref<10000x128xbf16, #tpu.memory_space<hbm>> -> memref<10000x128xbf16, #tpu.memory_space<hbm>>
        tpu.enqueue_indirect_dma source(%dma_start3A_292 : memref<10000x128xbf16, #tpu.memory_space<hbm>>) target(%arg11 : memref<80x128xbf16, #tpu.memory_space<vmem>>) offsets(%dma_start3A_289 : memref<80xi32, #tpu.memory_space<vmem>>) semaphore(%arg21 : memref<!tpu.dma_semaphore, #tpu.memory_space<semaphore_mem>>)
      } else {
      }
      %mul3A_149 = arith.constant 5 : i32
      %mul3A_150 = arith.muli %mul3A_149, %scan3A_118 : i32
      %add3A_151 = arith.constant 1 : i32
      %add3A_152 = arith.addi %mul3A_150, %add3A_151 : i32
      %dma_wait3A_153 = arith.constant 0 : i32
      %dma_wait3A_154 = tpu.memref_slice %arg6[%add3A_152, %dma_wait3A_153] : memref<125x80xi32, #tpu.memory_space<vmem>> -> memref<1x80xi32, #tpu.memory_space<vmem>>
      %dma_wait3A_155 = tpu.memref_squeeze %dma_wait3A_154 : memref<1x80xi32, #tpu.memory_space<vmem>> -> memref<80xi32, #tpu.memory_space<vmem>>
      %dma_wait3A_156 = arith.constant 0 : i32
      %dma_wait3A_157 = arith.constant 0 : i32
      %dma_wait3A_158 = tpu.memref_slice %arg2[%dma_wait3A_156, %dma_wait3A_157] : memref<10000x128xbf16, #tpu.memory_space<hbm>> -> memref<10000x128xbf16, #tpu.memory_space<hbm>>
      tpu.wait_indirect_dma semaphore(%arg19 : memref<!tpu.dma_semaphore, #tpu.memory_space<semaphore_mem>>) src(%dma_wait3A_158 : memref<10000x128xbf16, #tpu.memory_space<hbm>>) dst(%arg9 : memref<80x128xbf16, #tpu.memory_space<vmem>>)
      %dma_start3A_159 = arith.constant 0 : i32
      %dma_start3A_160 = tpu.memref_slice %arg7[%add3A_152, %dma_start3A_159] : memref<125x80xi32, #tpu.memory_space<vmem>> -> memref<1x80xi32, #tpu.memory_space<vmem>>
      %dma_start3A_161 = tpu.memref_squeeze %dma_start3A_160 : memref<1x80xi32, #tpu.memory_space<vmem>> -> memref<80xi32, #tpu.memory_space<vmem>>
      %dma_start3A_162 = arith.constant 0 : i32
      %dma_start3A_163 = arith.constant 0 : i32
      %dma_start3A_164 = tpu.memref_slice %arg16[%dma_start3A_162, %dma_start3A_163] : memref<10240x128xbf16, #tpu.memory_space<vmem_shared>> -> memref<10240x128xbf16, #tpu.memory_space<vmem_shared>>
      tpu.enqueue_indirect_dma source(%arg9 : memref<80x128xbf16, #tpu.memory_space<vmem>>) target(%dma_start3A_164 : memref<10240x128xbf16, #tpu.memory_space<vmem_shared>>) offsets(%dma_start3A_161 : memref<80xi32, #tpu.memory_space<vmem>>) semaphore(%arg24 : memref<!tpu.dma_semaphore, #tpu.memory_space<semaphore_mem>>) {add = true}
      %dma_start3A_165 = arith.constant 0 : i32
      %dma_start3A_166 = tpu.memref_slice %arg7[%add3A_152, %dma_start3A_165] : memref<125x80xi32, #tpu.memory_space<vmem>> -> memref<1x80xi32, #tpu.memory_space<vmem>>
      %dma_start3A_167 = tpu.memref_squeeze %dma_start3A_166 : memref<1x80xi32, #tpu.memory_space<vmem>> -> memref<80xi32, #tpu.memory_space<vmem>>
      %dma_start3A_168 = arith.constant 0 : i32
      %dma_start3A_169 = arith.constant 0 : i32
      %dma_start3A_170 = tpu.memref_slice %arg17[%dma_start3A_168, %dma_start3A_169] : memref<10240x16xf32, #tpu.memory_space<vmem_shared>> -> memref<10240x16xf32, #tpu.memory_space<vmem_shared>>
      tpu.enqueue_indirect_dma source(%arg14 : memref<80x16xf32, #tpu.memory_space<vmem>>) target(%dma_start3A_170 : memref<10240x16xf32, #tpu.memory_space<vmem_shared>>) offsets(%dma_start3A_167 : memref<80xi32, #tpu.memory_space<vmem>>) semaphore(%arg28 : memref<!tpu.dma_semaphore, #tpu.memory_space<semaphore_mem>>) {add = true}
      %ge3A_171 = arith.constant 2 : i32
      %ge3A_172 = arith.cmpi sge, %add3A_152, %ge3A_171 : i32
      %convert_element_type3A_173 = arith.extui %ge3A_172 : i1 to i32
      %cond3A_174 = arith.constant 0 : i32
      %cond3A_175 = arith.cmpi ne, %convert_element_type3A_173, %cond3A_174 : i32
      scf.if %cond3A_175 {
        %sub3A = arith.constant 2 : i32
        %sub3A_285 = arith.subi %add3A_152, %sub3A : i32
        %dma_wait3A_286 = arith.constant 0 : i32
        %dma_wait3A_287 = tpu.memref_slice %arg7[%sub3A_285, %dma_wait3A_286] : memref<125x80xi32, #tpu.memory_space<vmem>> -> memref<1x80xi32, #tpu.memory_space<vmem>>
        %dma_wait3A_288 = tpu.memref_squeeze %dma_wait3A_287 : memref<1x80xi32, #tpu.memory_space<vmem>> -> memref<80xi32, #tpu.memory_space<vmem>>
        %dma_wait3A_289 = arith.constant 0 : i32
        %dma_wait3A_290 = arith.constant 0 : i32
        %dma_wait3A_291 = tpu.memref_slice %arg16[%dma_wait3A_289, %dma_wait3A_290] : memref<10240x128xbf16, #tpu.memory_space<vmem_shared>> -> memref<10240x128xbf16, #tpu.memory_space<vmem_shared>>
        tpu.wait_indirect_dma semaphore(%arg27 : memref<!tpu.dma_semaphore, #tpu.memory_space<semaphore_mem>>) src(%arg12 : memref<80x128xbf16, #tpu.memory_space<vmem>>) dst(%dma_wait3A_291 : memref<10240x128xbf16, #tpu.memory_space<vmem_shared>>)
      } else {
      }
      %add3A_176 = arith.constant 3 : i32
      %add3A_177 = arith.addi %add3A_152, %add3A_176 : i32
      %lt3A_178 = arith.constant 125 : i32
      %lt3A_179 = arith.cmpi slt, %add3A_177, %lt3A_178 : i32
      %convert_element_type3A_180 = arith.extui %lt3A_179 : i1 to i32
      %cond3A_181 = arith.constant 0 : i32
      %cond3A_182 = arith.cmpi ne, %convert_element_type3A_180, %cond3A_181 : i32
      scf.if %cond3A_182 {
        %add3A_285 = arith.constant 3 : i32
        %add3A_286 = arith.addi %add3A_152, %add3A_285 : i32
        %dma_start3A_287 = arith.constant 0 : i32
        %dma_start3A_288 = tpu.memref_slice %arg6[%add3A_286, %dma_start3A_287] : memref<125x80xi32, #tpu.memory_space<vmem>> -> memref<1x80xi32, #tpu.memory_space<vmem>>
        %dma_start3A_289 = tpu.memref_squeeze %dma_start3A_288 : memref<1x80xi32, #tpu.memory_space<vmem>> -> memref<80xi32, #tpu.memory_space<vmem>>
        %dma_start3A_290 = arith.constant 0 : i32
        %dma_start3A_291 = arith.constant 0 : i32
        %dma_start3A_292 = tpu.memref_slice %arg2[%dma_start3A_290, %dma_start3A_291] : memref<10000x128xbf16, #tpu.memory_space<hbm>> -> memref<10000x128xbf16, #tpu.memory_space<hbm>>
        tpu.enqueue_indirect_dma source(%dma_start3A_292 : memref<10000x128xbf16, #tpu.memory_space<hbm>>) target(%arg12 : memref<80x128xbf16, #tpu.memory_space<vmem>>) offsets(%dma_start3A_289 : memref<80xi32, #tpu.memory_space<vmem>>) semaphore(%arg22 : memref<!tpu.dma_semaphore, #tpu.memory_space<semaphore_mem>>)
      } else {
      }
      %mul3A_183 = arith.constant 5 : i32
      %mul3A_184 = arith.muli %mul3A_183, %scan3A_118 : i32
      %add3A_185 = arith.constant 2 : i32
      %add3A_186 = arith.addi %mul3A_184, %add3A_185 : i32
      %dma_wait3A_187 = arith.constant 0 : i32
      %dma_wait3A_188 = tpu.memref_slice %arg6[%add3A_186, %dma_wait3A_187] : memref<125x80xi32, #tpu.memory_space<vmem>> -> memref<1x80xi32, #tpu.memory_space<vmem>>
      %dma_wait3A_189 = tpu.memref_squeeze %dma_wait3A_188 : memref<1x80xi32, #tpu.memory_space<vmem>> -> memref<80xi32, #tpu.memory_space<vmem>>
      %dma_wait3A_190 = arith.constant 0 : i32
      %dma_wait3A_191 = arith.constant 0 : i32
      %dma_wait3A_192 = tpu.memref_slice %arg2[%dma_wait3A_190, %dma_wait3A_191] : memref<10000x128xbf16, #tpu.memory_space<hbm>> -> memref<10000x128xbf16, #tpu.memory_space<hbm>>
      tpu.wait_indirect_dma semaphore(%arg20 : memref<!tpu.dma_semaphore, #tpu.memory_space<semaphore_mem>>) src(%dma_wait3A_192 : memref<10000x128xbf16, #tpu.memory_space<hbm>>) dst(%arg10 : memref<80x128xbf16, #tpu.memory_space<vmem>>)
      %dma_start3A_193 = arith.constant 0 : i32
      %dma_start3A_194 = tpu.memref_slice %arg7[%add3A_186, %dma_start3A_193] : memref<125x80xi32, #tpu.memory_space<vmem>> -> memref<1x80xi32, #tpu.memory_space<vmem>>
      %dma_start3A_195 = tpu.memref_squeeze %dma_start3A_194 : memref<1x80xi32, #tpu.memory_space<vmem>> -> memref<80xi32, #tpu.memory_space<vmem>>
      %dma_start3A_196 = arith.constant 0 : i32
      %dma_start3A_197 = arith.constant 0 : i32
      %dma_start3A_198 = tpu.memref_slice %arg16[%dma_start3A_196, %dma_start3A_197] : memref<10240x128xbf16, #tpu.memory_space<vmem_shared>> -> memref<10240x128xbf16, #tpu.memory_space<vmem_shared>>
      tpu.enqueue_indirect_dma source(%arg10 : memref<80x128xbf16, #tpu.memory_space<vmem>>) target(%dma_start3A_198 : memref<10240x128xbf16, #tpu.memory_space<vmem_shared>>) offsets(%dma_start3A_195 : memref<80xi32, #tpu.memory_space<vmem>>) semaphore(%arg25 : memref<!tpu.dma_semaphore, #tpu.memory_space<semaphore_mem>>) {add = true}
      %dma_start3A_199 = arith.constant 0 : i32
      %dma_start3A_200 = tpu.memref_slice %arg7[%add3A_186, %dma_start3A_199] : memref<125x80xi32, #tpu.memory_space<vmem>> -> memref<1x80xi32, #tpu.memory_space<vmem>>
      %dma_start3A_201 = tpu.memref_squeeze %dma_start3A_200 : memref<1x80xi32, #tpu.memory_space<vmem>> -> memref<80xi32, #tpu.memory_space<vmem>>
      %dma_start3A_202 = arith.constant 0 : i32
      %dma_start3A_203 = arith.constant 0 : i32
      %dma_start3A_204 = tpu.memref_slice %arg17[%dma_start3A_202, %dma_start3A_203] : memref<10240x16xf32, #tpu.memory_space<vmem_shared>> -> memref<10240x16xf32, #tpu.memory_space<vmem_shared>>
      tpu.enqueue_indirect_dma source(%arg14 : memref<80x16xf32, #tpu.memory_space<vmem>>) target(%dma_start3A_204 : memref<10240x16xf32, #tpu.memory_space<vmem_shared>>) offsets(%dma_start3A_201 : memref<80xi32, #tpu.memory_space<vmem>>) semaphore(%arg28 : memref<!tpu.dma_semaphore, #tpu.memory_space<semaphore_mem>>) {add = true}
      %ge3A_205 = arith.constant 2 : i32
      %ge3A_206 = arith.cmpi sge, %add3A_186, %ge3A_205 : i32
      %convert_element_type3A_207 = arith.extui %ge3A_206 : i1 to i32
      %cond3A_208 = arith.constant 0 : i32
      %cond3A_209 = arith.cmpi ne, %convert_element_type3A_207, %cond3A_208 : i32
      scf.if %cond3A_209 {
        %sub3A = arith.constant 2 : i32
        %sub3A_285 = arith.subi %add3A_186, %sub3A : i32
        %dma_wait3A_286 = arith.constant 0 : i32
        %dma_wait3A_287 = tpu.memref_slice %arg7[%sub3A_285, %dma_wait3A_286] : memref<125x80xi32, #tpu.memory_space<vmem>> -> memref<1x80xi32, #tpu.memory_space<vmem>>
        %dma_wait3A_288 = tpu.memref_squeeze %dma_wait3A_287 : memref<1x80xi32, #tpu.memory_space<vmem>> -> memref<80xi32, #tpu.memory_space<vmem>>
        %dma_wait3A_289 = arith.constant 0 : i32
        %dma_wait3A_290 = arith.constant 0 : i32
        %dma_wait3A_291 = tpu.memref_slice %arg16[%dma_wait3A_289, %dma_wait3A_290] : memref<10240x128xbf16, #tpu.memory_space<vmem_shared>> -> memref<10240x128xbf16, #tpu.memory_space<vmem_shared>>
        tpu.wait_indirect_dma semaphore(%arg23 : memref<!tpu.dma_semaphore, #tpu.memory_space<semaphore_mem>>) src(%arg8 : memref<80x128xbf16, #tpu.memory_space<vmem>>) dst(%dma_wait3A_291 : memref<10240x128xbf16, #tpu.memory_space<vmem_shared>>)
      } else {
      }
      %add3A_210 = arith.constant 3 : i32
      %add3A_211 = arith.addi %add3A_186, %add3A_210 : i32
      %lt3A_212 = arith.constant 125 : i32
      %lt3A_213 = arith.cmpi slt, %add3A_211, %lt3A_212 : i32
      %convert_element_type3A_214 = arith.extui %lt3A_213 : i1 to i32
      %cond3A_215 = arith.constant 0 : i32
      %cond3A_216 = arith.cmpi ne, %convert_element_type3A_214, %cond3A_215 : i32
      scf.if %cond3A_216 {
        %add3A_285 = arith.constant 3 : i32
        %add3A_286 = arith.addi %add3A_186, %add3A_285 : i32
        %dma_start3A_287 = arith.constant 0 : i32
        %dma_start3A_288 = tpu.memref_slice %arg6[%add3A_286, %dma_start3A_287] : memref<125x80xi32, #tpu.memory_space<vmem>> -> memref<1x80xi32, #tpu.memory_space<vmem>>
        %dma_start3A_289 = tpu.memref_squeeze %dma_start3A_288 : memref<1x80xi32, #tpu.memory_space<vmem>> -> memref<80xi32, #tpu.memory_space<vmem>>
        %dma_start3A_290 = arith.constant 0 : i32
        %dma_start3A_291 = arith.constant 0 : i32
        %dma_start3A_292 = tpu.memref_slice %arg2[%dma_start3A_290, %dma_start3A_291] : memref<10000x128xbf16, #tpu.memory_space<hbm>> -> memref<10000x128xbf16, #tpu.memory_space<hbm>>
        tpu.enqueue_indirect_dma source(%dma_start3A_292 : memref<10000x128xbf16, #tpu.memory_space<hbm>>) target(%arg8 : memref<80x128xbf16, #tpu.memory_space<vmem>>) offsets(%dma_start3A_289 : memref<80xi32, #tpu.memory_space<vmem>>) semaphore(%arg18 : memref<!tpu.dma_semaphore, #tpu.memory_space<semaphore_mem>>)
      } else {
      }
      %mul3A_217 = arith.constant 5 : i32
      %mul3A_218 = arith.muli %mul3A_217, %scan3A_118 : i32
      %add3A_219 = arith.constant 3 : i32
      %add3A_220 = arith.addi %mul3A_218, %add3A_219 : i32
      %dma_wait3A_221 = arith.constant 0 : i32
      %dma_wait3A_222 = tpu.memref_slice %arg6[%add3A_220, %dma_wait3A_221] : memref<125x80xi32, #tpu.memory_space<vmem>> -> memref<1x80xi32, #tpu.memory_space<vmem>>
      %dma_wait3A_223 = tpu.memref_squeeze %dma_wait3A_222 : memref<1x80xi32, #tpu.memory_space<vmem>> -> memref<80xi32, #tpu.memory_space<vmem>>
      %dma_wait3A_224 = arith.constant 0 : i32
      %dma_wait3A_225 = arith.constant 0 : i32
      %dma_wait3A_226 = tpu.memref_slice %arg2[%dma_wait3A_224, %dma_wait3A_225] : memref<10000x128xbf16, #tpu.memory_space<hbm>> -> memref<10000x128xbf16, #tpu.memory_space<hbm>>
      tpu.wait_indirect_dma semaphore(%arg21 : memref<!tpu.dma_semaphore, #tpu.memory_space<semaphore_mem>>) src(%dma_wait3A_226 : memref<10000x128xbf16, #tpu.memory_space<hbm>>) dst(%arg11 : memref<80x128xbf16, #tpu.memory_space<vmem>>)
      %dma_start3A_227 = arith.constant 0 : i32
      %dma_start3A_228 = tpu.memref_slice %arg7[%add3A_220, %dma_start3A_227] : memref<125x80xi32, #tpu.memory_space<vmem>> -> memref<1x80xi32, #tpu.memory_space<vmem>>
      %dma_start3A_229 = tpu.memref_squeeze %dma_start3A_228 : memref<1x80xi32, #tpu.memory_space<vmem>> -> memref<80xi32, #tpu.memory_space<vmem>>
      %dma_start3A_230 = arith.constant 0 : i32
      %dma_start3A_231 = arith.constant 0 : i32
      %dma_start3A_232 = tpu.memref_slice %arg16[%dma_start3A_230, %dma_start3A_231] : memref<10240x128xbf16, #tpu.memory_space<vmem_shared>> -> memref<10240x128xbf16, #tpu.memory_space<vmem_shared>>
      tpu.enqueue_indirect_dma source(%arg11 : memref<80x128xbf16, #tpu.memory_space<vmem>>) target(%dma_start3A_232 : memref<10240x128xbf16, #tpu.memory_space<vmem_shared>>) offsets(%dma_start3A_229 : memref<80xi32, #tpu.memory_space<vmem>>) semaphore(%arg26 : memref<!tpu.dma_semaphore, #tpu.memory_space<semaphore_mem>>) {add = true}
      %dma_start3A_233 = arith.constant 0 : i32
      %dma_start3A_234 = tpu.memref_slice %arg7[%add3A_220, %dma_start3A_233] : memref<125x80xi32, #tpu.memory_space<vmem>> -> memref<1x80xi32, #tpu.memory_space<vmem>>
      %dma_start3A_235 = tpu.memref_squeeze %dma_start3A_234 : memref<1x80xi32, #tpu.memory_space<vmem>> -> memref<80xi32, #tpu.memory_space<vmem>>
      %dma_start3A_236 = arith.constant 0 : i32
      %dma_start3A_237 = arith.constant 0 : i32
      %dma_start3A_238 = tpu.memref_slice %arg17[%dma_start3A_236, %dma_start3A_237] : memref<10240x16xf32, #tpu.memory_space<vmem_shared>> -> memref<10240x16xf32, #tpu.memory_space<vmem_shared>>
      tpu.enqueue_indirect_dma source(%arg14 : memref<80x16xf32, #tpu.memory_space<vmem>>) target(%dma_start3A_238 : memref<10240x16xf32, #tpu.memory_space<vmem_shared>>) offsets(%dma_start3A_235 : memref<80xi32, #tpu.memory_space<vmem>>) semaphore(%arg28 : memref<!tpu.dma_semaphore, #tpu.memory_space<semaphore_mem>>) {add = true}
      %ge3A_239 = arith.constant 2 : i32
      %ge3A_240 = arith.cmpi sge, %add3A_220, %ge3A_239 : i32
      %convert_element_type3A_241 = arith.extui %ge3A_240 : i1 to i32
      %cond3A_242 = arith.constant 0 : i32
      %cond3A_243 = arith.cmpi ne, %convert_element_type3A_241, %cond3A_242 : i32
      scf.if %cond3A_243 {
        %sub3A = arith.constant 2 : i32
        %sub3A_285 = arith.subi %add3A_220, %sub3A : i32
        %dma_wait3A_286 = arith.constant 0 : i32
        %dma_wait3A_287 = tpu.memref_slice %arg7[%sub3A_285, %dma_wait3A_286] : memref<125x80xi32, #tpu.memory_space<vmem>> -> memref<1x80xi32, #tpu.memory_space<vmem>>
        %dma_wait3A_288 = tpu.memref_squeeze %dma_wait3A_287 : memref<1x80xi32, #tpu.memory_space<vmem>> -> memref<80xi32, #tpu.memory_space<vmem>>
        %dma_wait3A_289 = arith.constant 0 : i32
        %dma_wait3A_290 = arith.constant 0 : i32
        %dma_wait3A_291 = tpu.memref_slice %arg16[%dma_wait3A_289, %dma_wait3A_290] : memref<10240x128xbf16, #tpu.memory_space<vmem_shared>> -> memref<10240x128xbf16, #tpu.memory_space<vmem_shared>>
        tpu.wait_indirect_dma semaphore(%arg24 : memref<!tpu.dma_semaphore, #tpu.memory_space<semaphore_mem>>) src(%arg9 : memref<80x128xbf16, #tpu.memory_space<vmem>>) dst(%dma_wait3A_291 : memref<10240x128xbf16, #tpu.memory_space<vmem_shared>>)
      } else {
      }
      %add3A_244 = arith.constant 3 : i32
      %add3A_245 = arith.addi %add3A_220, %add3A_244 : i32
      %lt3A_246 = arith.constant 125 : i32
      %lt3A_247 = arith.cmpi slt, %add3A_245, %lt3A_246 : i32
      %convert_element_type3A_248 = arith.extui %lt3A_247 : i1 to i32
      %cond3A_249 = arith.constant 0 : i32
      %cond3A_250 = arith.cmpi ne, %convert_element_type3A_248, %cond3A_249 : i32
      scf.if %cond3A_250 {
        %add3A_285 = arith.constant 3 : i32
        %add3A_286 = arith.addi %add3A_220, %add3A_285 : i32
        %dma_start3A_287 = arith.constant 0 : i32
        %dma_start3A_288 = tpu.memref_slice %arg6[%add3A_286, %dma_start3A_287] : memref<125x80xi32, #tpu.memory_space<vmem>> -> memref<1x80xi32, #tpu.memory_space<vmem>>
        %dma_start3A_289 = tpu.memref_squeeze %dma_start3A_288 : memref<1x80xi32, #tpu.memory_space<vmem>> -> memref<80xi32, #tpu.memory_space<vmem>>
        %dma_start3A_290 = arith.constant 0 : i32
        %dma_start3A_291 = arith.constant 0 : i32
        %dma_start3A_292 = tpu.memref_slice %arg2[%dma_start3A_290, %dma_start3A_291] : memref<10000x128xbf16, #tpu.memory_space<hbm>> -> memref<10000x128xbf16, #tpu.memory_space<hbm>>
        tpu.enqueue_indirect_dma source(%dma_start3A_292 : memref<10000x128xbf16, #tpu.memory_space<hbm>>) target(%arg9 : memref<80x128xbf16, #tpu.memory_space<vmem>>) offsets(%dma_start3A_289 : memref<80xi32, #tpu.memory_space<vmem>>) semaphore(%arg19 : memref<!tpu.dma_semaphore, #tpu.memory_space<semaphore_mem>>)
      } else {
      }
      %mul3A_251 = arith.constant 5 : i32
      %mul3A_252 = arith.muli %mul3A_251, %scan3A_118 : i32
      %add3A_253 = arith.constant 4 : i32
      %add3A_254 = arith.addi %mul3A_252, %add3A_253 : i32
      %dma_wait3A_255 = arith.constant 0 : i32
      %dma_wait3A_256 = tpu.memref_slice %arg6[%add3A_254, %dma_wait3A_255] : memref<125x80xi32, #tpu.memory_space<vmem>> -> memref<1x80xi32, #tpu.memory_space<vmem>>
      %dma_wait3A_257 = tpu.memref_squeeze %dma_wait3A_256 : memref<1x80xi32, #tpu.memory_space<vmem>> -> memref<80xi32, #tpu.memory_space<vmem>>
      %dma_wait3A_258 = arith.constant 0 : i32
      %dma_wait3A_259 = arith.constant 0 : i32
      %dma_wait3A_260 = tpu.memref_slice %arg2[%dma_wait3A_258, %dma_wait3A_259] : memref<10000x128xbf16, #tpu.memory_space<hbm>> -> memref<10000x128xbf16, #tpu.memory_space<hbm>>
      tpu.wait_indirect_dma semaphore(%arg22 : memref<!tpu.dma_semaphore, #tpu.memory_space<semaphore_mem>>) src(%dma_wait3A_260 : memref<10000x128xbf16, #tpu.memory_space<hbm>>) dst(%arg12 : memref<80x128xbf16, #tpu.memory_space<vmem>>)
      %dma_start3A_261 = arith.constant 0 : i32
      %dma_start3A_262 = tpu.memref_slice %arg7[%add3A_254, %dma_start3A_261] : memref<125x80xi32, #tpu.memory_space<vmem>> -> memref<1x80xi32, #tpu.memory_space<vmem>>
      %dma_start3A_263 = tpu.memref_squeeze %dma_start3A_262 : memref<1x80xi32, #tpu.memory_space<vmem>> -> memref<80xi32, #tpu.memory_space<vmem>>
      %dma_start3A_264 = arith.constant 0 : i32
      %dma_start3A_265 = arith.constant 0 : i32
      %dma_start3A_266 = tpu.memref_slice %arg16[%dma_start3A_264, %dma_start3A_265] : memref<10240x128xbf16, #tpu.memory_space<vmem_shared>> -> memref<10240x128xbf16, #tpu.memory_space<vmem_shared>>
      tpu.enqueue_indirect_dma source(%arg12 : memref<80x128xbf16, #tpu.memory_space<vmem>>) target(%dma_start3A_266 : memref<10240x128xbf16, #tpu.memory_space<vmem_shared>>) offsets(%dma_start3A_263 : memref<80xi32, #tpu.memory_space<vmem>>) semaphore(%arg27 : memref<!tpu.dma_semaphore, #tpu.memory_space<semaphore_mem>>) {add = true}
      %dma_start3A_267 = arith.constant 0 : i32
      %dma_start3A_268 = tpu.memref_slice %arg7[%add3A_254, %dma_start3A_267] : memref<125x80xi32, #tpu.memory_space<vmem>> -> memref<1x80xi32, #tpu.memory_space<vmem>>
      %dma_start3A_269 = tpu.memref_squeeze %dma_start3A_268 : memref<1x80xi32, #tpu.memory_space<vmem>> -> memref<80xi32, #tpu.memory_space<vmem>>
      %dma_start3A_270 = arith.constant 0 : i32
      %dma_start3A_271 = arith.constant 0 : i32
      %dma_start3A_272 = tpu.memref_slice %arg17[%dma_start3A_270, %dma_start3A_271] : memref<10240x16xf32, #tpu.memory_space<vmem_shared>> -> memref<10240x16xf32, #tpu.memory_space<vmem_shared>>
      tpu.enqueue_indirect_dma source(%arg14 : memref<80x16xf32, #tpu.memory_space<vmem>>) target(%dma_start3A_272 : memref<10240x16xf32, #tpu.memory_space<vmem_shared>>) offsets(%dma_start3A_269 : memref<80xi32, #tpu.memory_space<vmem>>) semaphore(%arg28 : memref<!tpu.dma_semaphore, #tpu.memory_space<semaphore_mem>>) {add = true}
      %ge3A_273 = arith.constant 2 : i32
      %ge3A_274 = arith.cmpi sge, %add3A_254, %ge3A_273 : i32
      %convert_element_type3A_275 = arith.extui %ge3A_274 : i1 to i32
      %cond3A_276 = arith.constant 0 : i32
      %cond3A_277 = arith.cmpi ne, %convert_element_type3A_275, %cond3A_276 : i32
      scf.if %cond3A_277 {
        %sub3A = arith.constant 2 : i32
        %sub3A_285 = arith.subi %add3A_254, %sub3A : i32
        %dma_wait3A_286 = arith.constant 0 : i32
        %dma_wait3A_287 = tpu.memref_slice %arg7[%sub3A_285, %dma_wait3A_286] : memref<125x80xi32, #tpu.memory_space<vmem>> -> memref<1x80xi32, #tpu.memory_space<vmem>>
        %dma_wait3A_288 = tpu.memref_squeeze %dma_wait3A_287 : memref<1x80xi32, #tpu.memory_space<vmem>> -> memref<80xi32, #tpu.memory_space<vmem>>
        %dma_wait3A_289 = arith.constant 0 : i32
        %dma_wait3A_290 = arith.constant 0 : i32
        %dma_wait3A_291 = tpu.memref_slice %arg16[%dma_wait3A_289, %dma_wait3A_290] : memref<10240x128xbf16, #tpu.memory_space<vmem_shared>> -> memref<10240x128xbf16, #tpu.memory_space<vmem_shared>>
        tpu.wait_indirect_dma semaphore(%arg25 : memref<!tpu.dma_semaphore, #tpu.memory_space<semaphore_mem>>) src(%arg10 : memref<80x128xbf16, #tpu.memory_space<vmem>>) dst(%dma_wait3A_291 : memref<10240x128xbf16, #tpu.memory_space<vmem_shared>>)
      } else {
      }
      %add3A_278 = arith.constant 3 : i32
      %add3A_279 = arith.addi %add3A_254, %add3A_278 : i32
      %lt3A_280 = arith.constant 125 : i32
      %lt3A_281 = arith.cmpi slt, %add3A_279, %lt3A_280 : i32
      %convert_element_type3A_282 = arith.extui %lt3A_281 : i1 to i32
      %cond3A_283 = arith.constant 0 : i32
      %cond3A_284 = arith.cmpi ne, %convert_element_type3A_282, %cond3A_283 : i32
      scf.if %cond3A_284 {
        %add3A_285 = arith.constant 3 : i32
        %add3A_286 = arith.addi %add3A_254, %add3A_285 : i32
        %dma_start3A_287 = arith.constant 0 : i32
        %dma_start3A_288 = tpu.memref_slice %arg6[%add3A_286, %dma_start3A_287] : memref<125x80xi32, #tpu.memory_space<vmem>> -> memref<1x80xi32, #tpu.memory_space<vmem>>
        %dma_start3A_289 = tpu.memref_squeeze %dma_start3A_288 : memref<1x80xi32, #tpu.memory_space<vmem>> -> memref<80xi32, #tpu.memory_space<vmem>>
        %dma_start3A_290 = arith.constant 0 : i32
        %dma_start3A_291 = arith.constant 0 : i32
        %dma_start3A_292 = tpu.memref_slice %arg2[%dma_start3A_290, %dma_start3A_291] : memref<10000x128xbf16, #tpu.memory_space<hbm>> -> memref<10000x128xbf16, #tpu.memory_space<hbm>>
        tpu.enqueue_indirect_dma source(%dma_start3A_292 : memref<10000x128xbf16, #tpu.memory_space<hbm>>) target(%arg10 : memref<80x128xbf16, #tpu.memory_space<vmem>>) offsets(%dma_start3A_289 : memref<80xi32, #tpu.memory_space<vmem>>) semaphore(%arg20 : memref<!tpu.dma_semaphore, #tpu.memory_space<semaphore_mem>>)
      } else {
      }
    }
    %scan3A_89 = arith.constant 25 : i32
    %dma_wait3A = arith.constant 123 : i32
    %dma_wait3A_90 = arith.constant 0 : i32
    %dma_wait3A_91 = tpu.memref_slice %arg7[%dma_wait3A, %dma_wait3A_90] : memref<125x80xi32, #tpu.memory_space<vmem>> -> memref<1x80xi32, #tpu.memory_space<vmem>>
    %dma_wait3A_92 = tpu.memref_squeeze %dma_wait3A_91 : memref<1x80xi32, #tpu.memory_space<vmem>> -> memref<80xi32, #tpu.memory_space<vmem>>
    %dma_wait3A_93 = arith.constant 0 : i32
    %dma_wait3A_94 = arith.constant 0 : i32
    %dma_wait3A_95 = tpu.memref_slice %arg16[%dma_wait3A_93, %dma_wait3A_94] : memref<10240x128xbf16, #tpu.memory_space<vmem_shared>> -> memref<10240x128xbf16, #tpu.memory_space<vmem_shared>>
    tpu.wait_indirect_dma semaphore(%arg26 : memref<!tpu.dma_semaphore, #tpu.memory_space<semaphore_mem>>) src(%arg11 : memref<80x128xbf16, #tpu.memory_space<vmem>>) dst(%dma_wait3A_95 : memref<10240x128xbf16, #tpu.memory_space<vmem_shared>>)
    %dma_wait3A_96 = arith.constant 124 : i32
    %dma_wait3A_97 = arith.constant 0 : i32
    %dma_wait3A_98 = tpu.memref_slice %arg7[%dma_wait3A_96, %dma_wait3A_97] : memref<125x80xi32, #tpu.memory_space<vmem>> -> memref<1x80xi32, #tpu.memory_space<vmem>>
    %dma_wait3A_99 = tpu.memref_squeeze %dma_wait3A_98 : memref<1x80xi32, #tpu.memory_space<vmem>> -> memref<80xi32, #tpu.memory_space<vmem>>
    %dma_wait3A_100 = arith.constant 0 : i32
    %dma_wait3A_101 = arith.constant 0 : i32
    %dma_wait3A_102 = tpu.memref_slice %arg16[%dma_wait3A_100, %dma_wait3A_101] : memref<10240x128xbf16, #tpu.memory_space<vmem_shared>> -> memref<10240x128xbf16, #tpu.memory_space<vmem_shared>>
    tpu.wait_indirect_dma semaphore(%arg27 : memref<!tpu.dma_semaphore, #tpu.memory_space<semaphore_mem>>) src(%arg12 : memref<80x128xbf16, #tpu.memory_space<vmem>>) dst(%dma_wait3A_102 : memref<10240x128xbf16, #tpu.memory_space<vmem_shared>>)
    %scan3A_103 = arith.constant 0 : i32
    %scan3A_104 = arith.constant 0 : i32
    %scan3A_105 = arith.constant 125 : i32
    %scan3A_106 = arith.addi %scan3A_104, %scan3A_105 : i32
    %scan3A_107 = arith.constant 1 : i32
    scf.for %scan3A_118 = %scan3A_104 to %scan3A_106 step %scan3A_107  : i32 {
      %dma_wait3A_119 = arith.constant 0 : i32
      %dma_wait3A_120 = arith.constant 0 : i32
      %dma_wait3A_121 = tpu.memref_slice %arg7[%dma_wait3A_119, %dma_wait3A_120] : memref<125x80xi32, #tpu.memory_space<vmem>> -> memref<1x80xi32, #tpu.memory_space<vmem>>
      %dma_wait3A_122 = tpu.memref_squeeze %dma_wait3A_121 : memref<1x80xi32, #tpu.memory_space<vmem>> -> memref<80xi32, #tpu.memory_space<vmem>>
      %dma_wait3A_123 = arith.constant 0 : i32
      %dma_wait3A_124 = arith.constant 0 : i32
      %dma_wait3A_125 = tpu.memref_slice %arg17[%dma_wait3A_123, %dma_wait3A_124] : memref<10240x16xf32, #tpu.memory_space<vmem_shared>> -> memref<10240x16xf32, #tpu.memory_space<vmem_shared>>
      tpu.wait_indirect_dma semaphore(%arg28 : memref<!tpu.dma_semaphore, #tpu.memory_space<semaphore_mem>>) src(%arg14 : memref<80x16xf32, #tpu.memory_space<vmem>>) dst(%dma_wait3A_125 : memref<10240x16xf32, #tpu.memory_space<vmem_shared>>)
    }
    %scan3A_108 = arith.constant 125 : i32
    %barrier3A_109 = arith.constant 0 : index
    tpu.barrier barrier_id(%barrier3A_109)
    %mul3A_110 = arith.constant 640 : i32
    %mul3A_111 = arith.muli %arg1, %mul3A_110 : i32
    %mul3A_112 = arith.constant 640 : i32
    %mul3A_113 = arith.muli %arg1, %mul3A_112 : i32
    "tpu.region"() ({
      %run_scoped3A_118 = tpu.sem_alloc : memref<!tpu.dma_semaphore, #tpu.memory_space<semaphore_mem>>
      %dma_start3A_119 = arith.constant 0 : i32
      %dma_start3A_120 = tpu.memref_slice %arg4[%arg0, %mul3A_113, %dma_start3A_119] : memref<2x10240x128xbf16, #tpu.memory_space<hbm>> -> memref<1x640x128xbf16, #tpu.memory_space<hbm>>
      %dma_start3A_121 = tpu.memref_squeeze %dma_start3A_120 : memref<1x640x128xbf16, #tpu.memory_space<hbm>> -> memref<640x128xbf16, #tpu.memory_space<hbm>>
      %dma_start3A_122 = arith.constant 0 : i32
      %dma_start3A_123 = tpu.memref_slice %arg16[%mul3A_111, %dma_start3A_122] : memref<10240x128xbf16, #tpu.memory_space<vmem_shared>> -> memref<640x128xbf16, #tpu.memory_space<vmem_shared>>
      tpu.enqueue_dma source(%dma_start3A_123 : memref<640x128xbf16, #tpu.memory_space<vmem_shared>>) target(%dma_start3A_121 : memref<640x128xbf16, #tpu.memory_space<hbm>>) target_semaphore(%run_scoped3A_118 : memref<!tpu.dma_semaphore, #tpu.memory_space<semaphore_mem>>)
      %dma_wait3A_124 = arith.constant 0 : i32
      %dma_wait3A_125 = tpu.memref_slice %arg4[%arg0, %mul3A_113, %dma_wait3A_124] : memref<2x10240x128xbf16, #tpu.memory_space<hbm>> -> memref<1x640x128xbf16, #tpu.memory_space<hbm>>
      %dma_wait3A_126 = tpu.memref_squeeze %dma_wait3A_125 : memref<1x640x128xbf16, #tpu.memory_space<hbm>> -> memref<640x128xbf16, #tpu.memory_space<hbm>>
      %dma_wait3A_127 = arith.constant 0 : i32
      %dma_wait3A_128 = tpu.memref_slice %arg16[%mul3A_111, %dma_wait3A_127] : memref<10240x128xbf16, #tpu.memory_space<vmem_shared>> -> memref<640x128xbf16, #tpu.memory_space<vmem_shared>>
      tpu.wait_dma2 semaphore(%run_scoped3A_118 : memref<!tpu.dma_semaphore, #tpu.memory_space<semaphore_mem>>) src(%dma_wait3A_128 : memref<640x128xbf16, #tpu.memory_space<vmem_shared>>) dst(%dma_wait3A_126 : memref<640x128xbf16, #tpu.memory_space<hbm>>)
      tpu.yield
    }) : () -> ()
    %mul3A_114 = arith.constant 640 : i32
    %mul3A_115 = arith.muli %arg1, %mul3A_114 : i32
    %mul3A_116 = arith.constant 640 : i32
    %mul3A_117 = arith.muli %arg1, %mul3A_116 : i32
    "tpu.region"() ({
      %run_scoped3A_118 = tpu.sem_alloc : memref<!tpu.dma_semaphore, #tpu.memory_space<semaphore_mem>>
      %dma_start3A_119 = arith.constant 0 : i32
      %dma_start3A_120 = tpu.memref_slice %arg5[%arg0, %mul3A_117, %dma_start3A_119] : memref<2x10240x16xf32, #tpu.memory_space<hbm>> -> memref<1x640x16xf32, #tpu.memory_space<hbm>>
      %dma_start3A_121 = tpu.memref_squeeze %dma_start3A_120 : memref<1x640x16xf32, #tpu.memory_space<hbm>> -> memref<640x16xf32, #tpu.memory_space<hbm>>
      %dma_start3A_122 = arith.constant 0 : i32
      %dma_start3A_123 = tpu.memref_slice %arg17[%mul3A_115, %dma_start3A_122] : memref<10240x16xf32, #tpu.memory_space<vmem_shared>> -> memref<640x16xf32, #tpu.memory_space<vmem_shared>>
      tpu.enqueue_dma source(%dma_start3A_123 : memref<640x16xf32, #tpu.memory_space<vmem_shared>>) target(%dma_start3A_121 : memref<640x16xf32, #tpu.memory_space<hbm>>) target_semaphore(%run_scoped3A_118 : memref<!tpu.dma_semaphore, #tpu.memory_space<semaphore_mem>>)
      %dma_wait3A_124 = arith.constant 0 : i32
      %dma_wait3A_125 = tpu.memref_slice %arg5[%arg0, %mul3A_117, %dma_wait3A_124] : memref<2x10240x16xf32, #tpu.memory_space<hbm>> -> memref<1x640x16xf32, #tpu.memory_space<hbm>>
      %dma_wait3A_126 = tpu.memref_squeeze %dma_wait3A_125 : memref<1x640x16xf32, #tpu.memory_space<hbm>> -> memref<640x16xf32, #tpu.memory_space<hbm>>
      %dma_wait3A_127 = arith.constant 0 : i32
      %dma_wait3A_128 = tpu.memref_slice %arg17[%mul3A_115, %dma_wait3A_127] : memref<10240x16xf32, #tpu.memory_space<vmem_shared>> -> memref<640x16xf32, #tpu.memory_space<vmem_shared>>
      tpu.wait_dma2 semaphore(%run_scoped3A_118 : memref<!tpu.dma_semaphore, #tpu.memory_space<semaphore_mem>>) src(%dma_wait3A_128 : memref<640x16xf32, #tpu.memory_space<vmem_shared>>) dst(%dma_wait3A_126 : memref<640x16xf32, #tpu.memory_space<hbm>>)
      tpu.yield
    }) : () -> ()
    return
  }
}

#map = affine_map<(d0, d1) -> (0, 0)>
#map1 = affine_map<(d0, d1) -> (0, 0, 0, 0)>
#map2 = affine_map<(d0, d1) -> (0, 0, 0)>
module attributes {stable_mosaic.version = 14 : i64} {
  func.func @sage_sc_agg(%arg0: i32, %arg1: i32, %arg2: memref<10000x128xbf16, #tpu.memory_space<hbm>>, %arg3: memref<2x32x125x80xi32, #tpu.memory_space<hbm>>, %arg4: memref<2x10240x128xbf16, #tpu.memory_space<hbm>>, %arg5: memref<125x80xi32, #tpu.memory_space<vmem>>, %arg6: memref<125x80xi32, #tpu.memory_space<vmem>>, %arg7: memref<80x128xbf16, #tpu.memory_space<vmem>>, %arg8: memref<80x128xbf16, #tpu.memory_space<vmem>>, %arg9: memref<80x128xbf16, #tpu.memory_space<vmem>>, %arg10: memref<80x128xbf16, #tpu.memory_space<vmem>>, %arg11: memref<80x128xbf16, #tpu.memory_space<vmem>>, %arg12: memref<128x128xbf16, #tpu.memory_space<vmem>>, %arg13: memref<10240x128xbf16, #tpu.memory_space<vmem_shared>>, %arg14: memref<!tpu.dma_semaphore, #tpu.memory_space<semaphore_mem>>, %arg15: memref<!tpu.dma_semaphore, #tpu.memory_space<semaphore_mem>>, %arg16: memref<!tpu.dma_semaphore, #tpu.memory_space<semaphore_mem>>, %arg17: memref<!tpu.dma_semaphore, #tpu.memory_space<semaphore_mem>>, %arg18: memref<!tpu.dma_semaphore, #tpu.memory_space<semaphore_mem>>, %arg19: memref<!tpu.dma_semaphore, #tpu.memory_space<semaphore_mem>>, %arg20: memref<!tpu.dma_semaphore, #tpu.memory_space<semaphore_mem>>, %arg21: memref<!tpu.dma_semaphore, #tpu.memory_space<semaphore_mem>>, %arg22: memref<!tpu.dma_semaphore, #tpu.memory_space<semaphore_mem>>, %arg23: memref<!tpu.dma_semaphore, #tpu.memory_space<semaphore_mem>>) attributes {dimension_semantics = [#tpu.dimension_semantics<core_parallel>, #tpu.dimension_semantics<subcore_parallel>], iteration_bounds = array<i64: 2, 16>, scalar_prefetch = 0 : i64, scratch_operands = 19 : i64, tpu.core_type = #tpu.core_type<sc_vector_subcore>, window_params = [{transform_indices = #map}, {transform_indices = #map1}, {transform_indices = #map2}]} {
    %mul3A = arith.constant 16 : i32
    %mul3A_0 = arith.muli %arg0, %mul3A : i32
    %add3A = arith.addi %mul3A_0, %arg1 : i32
    %broadcast_in_dim3A = arith.constant 0.000000e+00 : bf16
    %broadcast_in_dim3A_1 = vector.broadcast %broadcast_in_dim3A : bf16 to vector<32xbf16>
    %run_scoped3A = arith.constant 0 : i32
    "tpu.region"() ({
      %run_scoped3A_72 = tpu.sem_alloc : memref<!tpu.dma_semaphore, #tpu.memory_space<semaphore_mem>>
      %dma_start3A_73 = arith.constant 0 : i32
      %dma_start3A_74 = arith.constant 0 : i32
      %dma_start3A_75 = tpu.memref_slice %arg3[%run_scoped3A, %add3A, %dma_start3A_73, %dma_start3A_74] : memref<2x32x125x80xi32, #tpu.memory_space<hbm>> -> memref<1x1x125x80xi32, #tpu.memory_space<hbm>>
      %dma_start3A_76 = tpu.memref_squeeze %dma_start3A_75 : memref<1x1x125x80xi32, #tpu.memory_space<hbm>> -> memref<125x80xi32, #tpu.memory_space<hbm>>
      %dma_start3A_77 = arith.constant 0 : i32
      %dma_start3A_78 = arith.constant 0 : i32
      %dma_start3A_79 = tpu.memref_slice %arg3[%run_scoped3A, %add3A, %dma_start3A_77, %dma_start3A_78] : memref<2x32x125x80xi32, #tpu.memory_space<hbm>> -> memref<1x1x125x80xi32, #tpu.memory_space<hbm>>
      %dma_start3A_80 = tpu.memref_squeeze %dma_start3A_79 : memref<1x1x125x80xi32, #tpu.memory_space<hbm>> -> memref<125x80xi32, #tpu.memory_space<hbm>>
      tpu.enqueue_dma source(%dma_start3A_80 : memref<125x80xi32, #tpu.memory_space<hbm>>) target(%arg5 : memref<125x80xi32, #tpu.memory_space<vmem>>) target_semaphore(%run_scoped3A_72 : memref<!tpu.dma_semaphore, #tpu.memory_space<semaphore_mem>>)
      %dma_wait3A_81 = arith.constant 0 : i32
      %dma_wait3A_82 = arith.constant 0 : i32
      %dma_wait3A_83 = tpu.memref_slice %arg3[%run_scoped3A, %add3A, %dma_wait3A_81, %dma_wait3A_82] : memref<2x32x125x80xi32, #tpu.memory_space<hbm>> -> memref<1x1x125x80xi32, #tpu.memory_space<hbm>>
      %dma_wait3A_84 = tpu.memref_squeeze %dma_wait3A_83 : memref<1x1x125x80xi32, #tpu.memory_space<hbm>> -> memref<125x80xi32, #tpu.memory_space<hbm>>
      %dma_wait3A_85 = arith.constant 0 : i32
      %dma_wait3A_86 = arith.constant 0 : i32
      %dma_wait3A_87 = tpu.memref_slice %arg3[%run_scoped3A, %add3A, %dma_wait3A_85, %dma_wait3A_86] : memref<2x32x125x80xi32, #tpu.memory_space<hbm>> -> memref<1x1x125x80xi32, #tpu.memory_space<hbm>>
      %dma_wait3A_88 = tpu.memref_squeeze %dma_wait3A_87 : memref<1x1x125x80xi32, #tpu.memory_space<hbm>> -> memref<125x80xi32, #tpu.memory_space<hbm>>
      tpu.wait_dma2 semaphore(%run_scoped3A_72 : memref<!tpu.dma_semaphore, #tpu.memory_space<semaphore_mem>>) src(%dma_wait3A_88 : memref<125x80xi32, #tpu.memory_space<hbm>>) dst(%arg5 : memref<125x80xi32, #tpu.memory_space<vmem>>)
      tpu.yield
    }) : () -> ()
    %run_scoped3A_2 = arith.constant 1 : i32
    "tpu.region"() ({
      %run_scoped3A_72 = tpu.sem_alloc : memref<!tpu.dma_semaphore, #tpu.memory_space<semaphore_mem>>
      %dma_start3A_73 = arith.constant 0 : i32
      %dma_start3A_74 = arith.constant 0 : i32
      %dma_start3A_75 = tpu.memref_slice %arg3[%run_scoped3A_2, %add3A, %dma_start3A_73, %dma_start3A_74] : memref<2x32x125x80xi32, #tpu.memory_space<hbm>> -> memref<1x1x125x80xi32, #tpu.memory_space<hbm>>
      %dma_start3A_76 = tpu.memref_squeeze %dma_start3A_75 : memref<1x1x125x80xi32, #tpu.memory_space<hbm>> -> memref<125x80xi32, #tpu.memory_space<hbm>>
      %dma_start3A_77 = arith.constant 0 : i32
      %dma_start3A_78 = arith.constant 0 : i32
      %dma_start3A_79 = tpu.memref_slice %arg3[%run_scoped3A_2, %add3A, %dma_start3A_77, %dma_start3A_78] : memref<2x32x125x80xi32, #tpu.memory_space<hbm>> -> memref<1x1x125x80xi32, #tpu.memory_space<hbm>>
      %dma_start3A_80 = tpu.memref_squeeze %dma_start3A_79 : memref<1x1x125x80xi32, #tpu.memory_space<hbm>> -> memref<125x80xi32, #tpu.memory_space<hbm>>
      tpu.enqueue_dma source(%dma_start3A_80 : memref<125x80xi32, #tpu.memory_space<hbm>>) target(%arg6 : memref<125x80xi32, #tpu.memory_space<vmem>>) target_semaphore(%run_scoped3A_72 : memref<!tpu.dma_semaphore, #tpu.memory_space<semaphore_mem>>)
      %dma_wait3A_81 = arith.constant 0 : i32
      %dma_wait3A_82 = arith.constant 0 : i32
      %dma_wait3A_83 = tpu.memref_slice %arg3[%run_scoped3A_2, %add3A, %dma_wait3A_81, %dma_wait3A_82] : memref<2x32x125x80xi32, #tpu.memory_space<hbm>> -> memref<1x1x125x80xi32, #tpu.memory_space<hbm>>
      %dma_wait3A_84 = tpu.memref_squeeze %dma_wait3A_83 : memref<1x1x125x80xi32, #tpu.memory_space<hbm>> -> memref<125x80xi32, #tpu.memory_space<hbm>>
      %dma_wait3A_85 = arith.constant 0 : i32
      %dma_wait3A_86 = arith.constant 0 : i32
      %dma_wait3A_87 = tpu.memref_slice %arg3[%run_scoped3A_2, %add3A, %dma_wait3A_85, %dma_wait3A_86] : memref<2x32x125x80xi32, #tpu.memory_space<hbm>> -> memref<1x1x125x80xi32, #tpu.memory_space<hbm>>
      %dma_wait3A_88 = tpu.memref_squeeze %dma_wait3A_87 : memref<1x1x125x80xi32, #tpu.memory_space<hbm>> -> memref<125x80xi32, #tpu.memory_space<hbm>>
      tpu.wait_dma2 semaphore(%run_scoped3A_72 : memref<!tpu.dma_semaphore, #tpu.memory_space<semaphore_mem>>) src(%dma_wait3A_88 : memref<125x80xi32, #tpu.memory_space<hbm>>) dst(%arg6 : memref<125x80xi32, #tpu.memory_space<vmem>>)
      tpu.yield
    }) : () -> ()
    %dma_start3A = arith.constant 0 : i32
    %dma_start3A_3 = arith.constant 0 : i32
    %dma_start3A_4 = tpu.memref_slice %arg5[%dma_start3A, %dma_start3A_3] : memref<125x80xi32, #tpu.memory_space<vmem>> -> memref<1x80xi32, #tpu.memory_space<vmem>>
    %dma_start3A_5 = tpu.memref_squeeze %dma_start3A_4 : memref<1x80xi32, #tpu.memory_space<vmem>> -> memref<80xi32, #tpu.memory_space<vmem>>
    %dma_start3A_6 = arith.constant 0 : i32
    %dma_start3A_7 = arith.constant 0 : i32
    %dma_start3A_8 = tpu.memref_slice %arg2[%dma_start3A_6, %dma_start3A_7] : memref<10000x128xbf16, #tpu.memory_space<hbm>> -> memref<10000x128xbf16, #tpu.memory_space<hbm>>
    tpu.enqueue_indirect_dma source(%dma_start3A_8 : memref<10000x128xbf16, #tpu.memory_space<hbm>>) target(%arg7 : memref<80x128xbf16, #tpu.memory_space<vmem>>) offsets(%dma_start3A_5 : memref<80xi32, #tpu.memory_space<vmem>>) semaphore(%arg14 : memref<!tpu.dma_semaphore, #tpu.memory_space<semaphore_mem>>)
    %dma_start3A_9 = arith.constant 1 : i32
    %dma_start3A_10 = arith.constant 0 : i32
    %dma_start3A_11 = tpu.memref_slice %arg5[%dma_start3A_9, %dma_start3A_10] : memref<125x80xi32, #tpu.memory_space<vmem>> -> memref<1x80xi32, #tpu.memory_space<vmem>>
    %dma_start3A_12 = tpu.memref_squeeze %dma_start3A_11 : memref<1x80xi32, #tpu.memory_space<vmem>> -> memref<80xi32, #tpu.memory_space<vmem>>
    %dma_start3A_13 = arith.constant 0 : i32
    %dma_start3A_14 = arith.constant 0 : i32
    %dma_start3A_15 = tpu.memref_slice %arg2[%dma_start3A_13, %dma_start3A_14] : memref<10000x128xbf16, #tpu.memory_space<hbm>> -> memref<10000x128xbf16, #tpu.memory_space<hbm>>
    tpu.enqueue_indirect_dma source(%dma_start3A_15 : memref<10000x128xbf16, #tpu.memory_space<hbm>>) target(%arg8 : memref<80x128xbf16, #tpu.memory_space<vmem>>) offsets(%dma_start3A_12 : memref<80xi32, #tpu.memory_space<vmem>>) semaphore(%arg15 : memref<!tpu.dma_semaphore, #tpu.memory_space<semaphore_mem>>)
    %dma_start3A_16 = arith.constant 2 : i32
    %dma_start3A_17 = arith.constant 0 : i32
    %dma_start3A_18 = tpu.memref_slice %arg5[%dma_start3A_16, %dma_start3A_17] : memref<125x80xi32, #tpu.memory_space<vmem>> -> memref<1x80xi32, #tpu.memory_space<vmem>>
    %dma_start3A_19 = tpu.memref_squeeze %dma_start3A_18 : memref<1x80xi32, #tpu.memory_space<vmem>> -> memref<80xi32, #tpu.memory_space<vmem>>
    %dma_start3A_20 = arith.constant 0 : i32
    %dma_start3A_21 = arith.constant 0 : i32
    %dma_start3A_22 = tpu.memref_slice %arg2[%dma_start3A_20, %dma_start3A_21] : memref<10000x128xbf16, #tpu.memory_space<hbm>> -> memref<10000x128xbf16, #tpu.memory_space<hbm>>
    tpu.enqueue_indirect_dma source(%dma_start3A_22 : memref<10000x128xbf16, #tpu.memory_space<hbm>>) target(%arg9 : memref<80x128xbf16, #tpu.memory_space<vmem>>) offsets(%dma_start3A_19 : memref<80xi32, #tpu.memory_space<vmem>>) semaphore(%arg16 : memref<!tpu.dma_semaphore, #tpu.memory_space<semaphore_mem>>)
    %scan3A = arith.constant 0 : i32
    %scan3A_23 = arith.constant 0 : i32
    %scan3A_24 = arith.constant 128 : i32
    %scan3A_25 = arith.addi %scan3A_23, %scan3A_24 : i32
    %scan3A_26 = arith.constant 1 : i32
    scf.for %scan3A_72 = %scan3A_23 to %scan3A_25 step %scan3A_26  : i32 {
      %swap3A = arith.index_cast %scan3A_72 : i32 to index
      %swap3A_73 = arith.constant 0 : index
      %swap3A_74 = tpu.vector_load %arg12[%swap3A, %swap3A_73] {strides = array<i32>} : memref<128x128xbf16, #tpu.memory_space<vmem>>, vector<1x32xbf16>,
      %swap3A_75 = vector.shape_cast %swap3A_74 : vector<1x32xbf16> to vector<32xbf16>
      %swap3A_76 = vector.shape_cast %broadcast_in_dim3A_1 : vector<32xbf16> to vector<1x32xbf16>
      tpu.vector_store %arg12[%swap3A, %swap3A_73], %swap3A_76 {strides = array<i32>} : memref<128x128xbf16, #tpu.memory_space<vmem>>, vector<1x32xbf16>,
      %swap3A_77 = arith.index_cast %scan3A_72 : i32 to index
      %swap3A_78 = arith.constant 32 : index
      %swap3A_79 = tpu.vector_load %arg12[%swap3A_77, %swap3A_78] {strides = array<i32>} : memref<128x128xbf16, #tpu.memory_space<vmem>>, vector<1x32xbf16>,
      %swap3A_80 = vector.shape_cast %swap3A_79 : vector<1x32xbf16> to vector<32xbf16>
      %swap3A_81 = vector.shape_cast %broadcast_in_dim3A_1 : vector<32xbf16> to vector<1x32xbf16>
      tpu.vector_store %arg12[%swap3A_77, %swap3A_78], %swap3A_81 {strides = array<i32>} : memref<128x128xbf16, #tpu.memory_space<vmem>>, vector<1x32xbf16>,
      %swap3A_82 = arith.index_cast %scan3A_72 : i32 to index
      %swap3A_83 = arith.constant 64 : index
      %swap3A_84 = tpu.vector_load %arg12[%swap3A_82, %swap3A_83] {strides = array<i32>} : memref<128x128xbf16, #tpu.memory_space<vmem>>, vector<1x32xbf16>,
      %swap3A_85 = vector.shape_cast %swap3A_84 : vector<1x32xbf16> to vector<32xbf16>
      %swap3A_86 = vector.shape_cast %broadcast_in_dim3A_1 : vector<32xbf16> to vector<1x32xbf16>
      tpu.vector_store %arg12[%swap3A_82, %swap3A_83], %swap3A_86 {strides = array<i32>} : memref<128x128xbf16, #tpu.memory_space<vmem>>, vector<1x32xbf16>,
      %swap3A_87 = arith.index_cast %scan3A_72 : i32 to index
      %swap3A_88 = arith.constant 96 : index
      %swap3A_89 = tpu.vector_load %arg12[%swap3A_87, %swap3A_88] {strides = array<i32>} : memref<128x128xbf16, #tpu.memory_space<vmem>>, vector<1x32xbf16>,
      %swap3A_90 = vector.shape_cast %swap3A_89 : vector<1x32xbf16> to vector<32xbf16>
      %swap3A_91 = vector.shape_cast %broadcast_in_dim3A_1 : vector<32xbf16> to vector<1x32xbf16>
      tpu.vector_store %arg12[%swap3A_87, %swap3A_88], %swap3A_91 {strides = array<i32>} : memref<128x128xbf16, #tpu.memory_space<vmem>>, vector<1x32xbf16>,
    }
    %scan3A_27 = arith.constant 128 : i32
    %mul3A_28 = arith.constant 640 : i32
    %mul3A_29 = arith.muli %arg1, %mul3A_28 : i32
    %add3A_30 = arith.constant 0 : i32
    %add3A_31 = arith.addi %mul3A_29, %add3A_30 : i32
    "tpu.region"() ({
      %run_scoped3A_72 = tpu.sem_alloc : memref<!tpu.dma_semaphore, #tpu.memory_space<semaphore_mem>>
      %dma_start3A_73 = arith.constant 0 : i32
      %dma_start3A_74 = tpu.memref_slice %arg13[%add3A_31, %dma_start3A_73] : memref<10240x128xbf16, #tpu.memory_space<vmem_shared>> -> memref<128x128xbf16, #tpu.memory_space<vmem_shared>>
      %dma_start3A_75 = arith.constant 0 : i32
      %dma_start3A_76 = tpu.memref_slice %arg13[%add3A_31, %dma_start3A_75] : memref<10240x128xbf16, #tpu.memory_space<vmem_shared>> -> memref<128x128xbf16, #tpu.memory_space<vmem_shared>>
      tpu.enqueue_dma source(%arg12 : memref<128x128xbf16, #tpu.memory_space<vmem>>) target(%dma_start3A_76 : memref<128x128xbf16, #tpu.memory_space<vmem_shared>>) target_semaphore(%run_scoped3A_72 : memref<!tpu.dma_semaphore, #tpu.memory_space<semaphore_mem>>)
      %dma_wait3A_77 = arith.constant 0 : i32
      %dma_wait3A_78 = tpu.memref_slice %arg13[%add3A_31, %dma_wait3A_77] : memref<10240x128xbf16, #tpu.memory_space<vmem_shared>> -> memref<128x128xbf16, #tpu.memory_space<vmem_shared>>
      %dma_wait3A_79 = arith.constant 0 : i32
      %dma_wait3A_80 = tpu.memref_slice %arg13[%add3A_31, %dma_wait3A_79] : memref<10240x128xbf16, #tpu.memory_space<vmem_shared>> -> memref<128x128xbf16, #tpu.memory_space<vmem_shared>>
      tpu.wait_dma2 semaphore(%run_scoped3A_72 : memref<!tpu.dma_semaphore, #tpu.memory_space<semaphore_mem>>) src(%arg12 : memref<128x128xbf16, #tpu.memory_space<vmem>>) dst(%dma_wait3A_80 : memref<128x128xbf16, #tpu.memory_space<vmem_shared>>)
      tpu.yield
    }) : () -> ()
    %mul3A_32 = arith.constant 640 : i32
    %mul3A_33 = arith.muli %arg1, %mul3A_32 : i32
    %add3A_34 = arith.constant 128 : i32
    %add3A_35 = arith.addi %mul3A_33, %add3A_34 : i32
    "tpu.region"() ({
      %run_scoped3A_72 = tpu.sem_alloc : memref<!tpu.dma_semaphore, #tpu.memory_space<semaphore_mem>>
      %dma_start3A_73 = arith.constant 0 : i32
      %dma_start3A_74 = tpu.memref_slice %arg13[%add3A_35, %dma_start3A_73] : memref<10240x128xbf16, #tpu.memory_space<vmem_shared>> -> memref<128x128xbf16, #tpu.memory_space<vmem_shared>>
      %dma_start3A_75 = arith.constant 0 : i32
      %dma_start3A_76 = tpu.memref_slice %arg13[%add3A_35, %dma_start3A_75] : memref<10240x128xbf16, #tpu.memory_space<vmem_shared>> -> memref<128x128xbf16, #tpu.memory_space<vmem_shared>>
      tpu.enqueue_dma source(%arg12 : memref<128x128xbf16, #tpu.memory_space<vmem>>) target(%dma_start3A_76 : memref<128x128xbf16, #tpu.memory_space<vmem_shared>>) target_semaphore(%run_scoped3A_72 : memref<!tpu.dma_semaphore, #tpu.memory_space<semaphore_mem>>)
      %dma_wait3A_77 = arith.constant 0 : i32
      %dma_wait3A_78 = tpu.memref_slice %arg13[%add3A_35, %dma_wait3A_77] : memref<10240x128xbf16, #tpu.memory_space<vmem_shared>> -> memref<128x128xbf16, #tpu.memory_space<vmem_shared>>
      %dma_wait3A_79 = arith.constant 0 : i32
      %dma_wait3A_80 = tpu.memref_slice %arg13[%add3A_35, %dma_wait3A_79] : memref<10240x128xbf16, #tpu.memory_space<vmem_shared>> -> memref<128x128xbf16, #tpu.memory_space<vmem_shared>>
      tpu.wait_dma2 semaphore(%run_scoped3A_72 : memref<!tpu.dma_semaphore, #tpu.memory_space<semaphore_mem>>) src(%arg12 : memref<128x128xbf16, #tpu.memory_space<vmem>>) dst(%dma_wait3A_80 : memref<128x128xbf16, #tpu.memory_space<vmem_shared>>)
      tpu.yield
    }) : () -> ()
    %mul3A_36 = arith.constant 640 : i32
    %mul3A_37 = arith.muli %arg1, %mul3A_36 : i32
    %add3A_38 = arith.constant 256 : i32
    %add3A_39 = arith.addi %mul3A_37, %add3A_38 : i32
    "tpu.region"() ({
      %run_scoped3A_72 = tpu.sem_alloc : memref<!tpu.dma_semaphore, #tpu.memory_space<semaphore_mem>>
      %dma_start3A_73 = arith.constant 0 : i32
      %dma_start3A_74 = tpu.memref_slice %arg13[%add3A_39, %dma_start3A_73] : memref<10240x128xbf16, #tpu.memory_space<vmem_shared>> -> memref<128x128xbf16, #tpu.memory_space<vmem_shared>>
      %dma_start3A_75 = arith.constant 0 : i32
      %dma_start3A_76 = tpu.memref_slice %arg13[%add3A_39, %dma_start3A_75] : memref<10240x128xbf16, #tpu.memory_space<vmem_shared>> -> memref<128x128xbf16, #tpu.memory_space<vmem_shared>>
      tpu.enqueue_dma source(%arg12 : memref<128x128xbf16, #tpu.memory_space<vmem>>) target(%dma_start3A_76 : memref<128x128xbf16, #tpu.memory_space<vmem_shared>>) target_semaphore(%run_scoped3A_72 : memref<!tpu.dma_semaphore, #tpu.memory_space<semaphore_mem>>)
      %dma_wait3A_77 = arith.constant 0 : i32
      %dma_wait3A_78 = tpu.memref_slice %arg13[%add3A_39, %dma_wait3A_77] : memref<10240x128xbf16, #tpu.memory_space<vmem_shared>> -> memref<128x128xbf16, #tpu.memory_space<vmem_shared>>
      %dma_wait3A_79 = arith.constant 0 : i32
      %dma_wait3A_80 = tpu.memref_slice %arg13[%add3A_39, %dma_wait3A_79] : memref<10240x128xbf16, #tpu.memory_space<vmem_shared>> -> memref<128x128xbf16, #tpu.memory_space<vmem_shared>>
      tpu.wait_dma2 semaphore(%run_scoped3A_72 : memref<!tpu.dma_semaphore, #tpu.memory_space<semaphore_mem>>) src(%arg12 : memref<128x128xbf16, #tpu.memory_space<vmem>>) dst(%dma_wait3A_80 : memref<128x128xbf16, #tpu.memory_space<vmem_shared>>)
      tpu.yield
    }) : () -> ()
    %mul3A_40 = arith.constant 640 : i32
    %mul3A_41 = arith.muli %arg1, %mul3A_40 : i32
    %add3A_42 = arith.constant 384 : i32
    %add3A_43 = arith.addi %mul3A_41, %add3A_42 : i32
    "tpu.region"() ({
      %run_scoped3A_72 = tpu.sem_alloc : memref<!tpu.dma_semaphore, #tpu.memory_space<semaphore_mem>>
      %dma_start3A_73 = arith.constant 0 : i32
      %dma_start3A_74 = tpu.memref_slice %arg13[%add3A_43, %dma_start3A_73] : memref<10240x128xbf16, #tpu.memory_space<vmem_shared>> -> memref<128x128xbf16, #tpu.memory_space<vmem_shared>>
      %dma_start3A_75 = arith.constant 0 : i32
      %dma_start3A_76 = tpu.memref_slice %arg13[%add3A_43, %dma_start3A_75] : memref<10240x128xbf16, #tpu.memory_space<vmem_shared>> -> memref<128x128xbf16, #tpu.memory_space<vmem_shared>>
      tpu.enqueue_dma source(%arg12 : memref<128x128xbf16, #tpu.memory_space<vmem>>) target(%dma_start3A_76 : memref<128x128xbf16, #tpu.memory_space<vmem_shared>>) target_semaphore(%run_scoped3A_72 : memref<!tpu.dma_semaphore, #tpu.memory_space<semaphore_mem>>)
      %dma_wait3A_77 = arith.constant 0 : i32
      %dma_wait3A_78 = tpu.memref_slice %arg13[%add3A_43, %dma_wait3A_77] : memref<10240x128xbf16, #tpu.memory_space<vmem_shared>> -> memref<128x128xbf16, #tpu.memory_space<vmem_shared>>
      %dma_wait3A_79 = arith.constant 0 : i32
      %dma_wait3A_80 = tpu.memref_slice %arg13[%add3A_43, %dma_wait3A_79] : memref<10240x128xbf16, #tpu.memory_space<vmem_shared>> -> memref<128x128xbf16, #tpu.memory_space<vmem_shared>>
      tpu.wait_dma2 semaphore(%run_scoped3A_72 : memref<!tpu.dma_semaphore, #tpu.memory_space<semaphore_mem>>) src(%arg12 : memref<128x128xbf16, #tpu.memory_space<vmem>>) dst(%dma_wait3A_80 : memref<128x128xbf16, #tpu.memory_space<vmem_shared>>)
      tpu.yield
    }) : () -> ()
    %mul3A_44 = arith.constant 640 : i32
    %mul3A_45 = arith.muli %arg1, %mul3A_44 : i32
    %add3A_46 = arith.constant 512 : i32
    %add3A_47 = arith.addi %mul3A_45, %add3A_46 : i32
    "tpu.region"() ({
      %run_scoped3A_72 = tpu.sem_alloc : memref<!tpu.dma_semaphore, #tpu.memory_space<semaphore_mem>>
      %dma_start3A_73 = arith.constant 0 : i32
      %dma_start3A_74 = tpu.memref_slice %arg13[%add3A_47, %dma_start3A_73] : memref<10240x128xbf16, #tpu.memory_space<vmem_shared>> -> memref<128x128xbf16, #tpu.memory_space<vmem_shared>>
      %dma_start3A_75 = arith.constant 0 : i32
      %dma_start3A_76 = tpu.memref_slice %arg13[%add3A_47, %dma_start3A_75] : memref<10240x128xbf16, #tpu.memory_space<vmem_shared>> -> memref<128x128xbf16, #tpu.memory_space<vmem_shared>>
      tpu.enqueue_dma source(%arg12 : memref<128x128xbf16, #tpu.memory_space<vmem>>) target(%dma_start3A_76 : memref<128x128xbf16, #tpu.memory_space<vmem_shared>>) target_semaphore(%run_scoped3A_72 : memref<!tpu.dma_semaphore, #tpu.memory_space<semaphore_mem>>)
      %dma_wait3A_77 = arith.constant 0 : i32
      %dma_wait3A_78 = tpu.memref_slice %arg13[%add3A_47, %dma_wait3A_77] : memref<10240x128xbf16, #tpu.memory_space<vmem_shared>> -> memref<128x128xbf16, #tpu.memory_space<vmem_shared>>
      %dma_wait3A_79 = arith.constant 0 : i32
      %dma_wait3A_80 = tpu.memref_slice %arg13[%add3A_47, %dma_wait3A_79] : memref<10240x128xbf16, #tpu.memory_space<vmem_shared>> -> memref<128x128xbf16, #tpu.memory_space<vmem_shared>>
      tpu.wait_dma2 semaphore(%run_scoped3A_72 : memref<!tpu.dma_semaphore, #tpu.memory_space<semaphore_mem>>) src(%arg12 : memref<128x128xbf16, #tpu.memory_space<vmem>>) dst(%dma_wait3A_80 : memref<128x128xbf16, #tpu.memory_space<vmem_shared>>)
      tpu.yield
    }) : () -> ()
    %barrier3A = arith.constant 0 : index
    tpu.barrier barrier_id(%barrier3A)
    %scan3A_48 = arith.constant 0 : i32
    %scan3A_49 = arith.constant 0 : i32
    %scan3A_50 = arith.constant 25 : i32
    %scan3A_51 = arith.addi %scan3A_49, %scan3A_50 : i32
    %scan3A_52 = arith.constant 1 : i32
    scf.for %scan3A_72 = %scan3A_49 to %scan3A_51 step %scan3A_52  : i32 {
      %mul3A_73 = arith.constant 5 : i32
      %mul3A_74 = arith.muli %mul3A_73, %scan3A_72 : i32
      %add3A_75 = arith.constant 0 : i32
      %add3A_76 = arith.addi %mul3A_74, %add3A_75 : i32
      %dma_wait3A_77 = arith.constant 0 : i32
      %dma_wait3A_78 = tpu.memref_slice %arg5[%add3A_76, %dma_wait3A_77] : memref<125x80xi32, #tpu.memory_space<vmem>> -> memref<1x80xi32, #tpu.memory_space<vmem>>
      %dma_wait3A_79 = tpu.memref_squeeze %dma_wait3A_78 : memref<1x80xi32, #tpu.memory_space<vmem>> -> memref<80xi32, #tpu.memory_space<vmem>>
      %dma_wait3A_80 = arith.constant 0 : i32
      %dma_wait3A_81 = arith.constant 0 : i32
      %dma_wait3A_82 = tpu.memref_slice %arg2[%dma_wait3A_80, %dma_wait3A_81] : memref<10000x128xbf16, #tpu.memory_space<hbm>> -> memref<10000x128xbf16, #tpu.memory_space<hbm>>
      tpu.wait_indirect_dma semaphore(%arg14 : memref<!tpu.dma_semaphore, #tpu.memory_space<semaphore_mem>>) src(%dma_wait3A_82 : memref<10000x128xbf16, #tpu.memory_space<hbm>>) dst(%arg7 : memref<80x128xbf16, #tpu.memory_space<vmem>>)
      %dma_start3A_83 = arith.constant 0 : i32
      %dma_start3A_84 = tpu.memref_slice %arg6[%add3A_76, %dma_start3A_83] : memref<125x80xi32, #tpu.memory_space<vmem>> -> memref<1x80xi32, #tpu.memory_space<vmem>>
      %dma_start3A_85 = tpu.memref_squeeze %dma_start3A_84 : memref<1x80xi32, #tpu.memory_space<vmem>> -> memref<80xi32, #tpu.memory_space<vmem>>
      %dma_start3A_86 = arith.constant 0 : i32
      %dma_start3A_87 = arith.constant 0 : i32
      %dma_start3A_88 = tpu.memref_slice %arg13[%dma_start3A_86, %dma_start3A_87] : memref<10240x128xbf16, #tpu.memory_space<vmem_shared>> -> memref<10240x128xbf16, #tpu.memory_space<vmem_shared>>
      tpu.enqueue_indirect_dma source(%arg7 : memref<80x128xbf16, #tpu.memory_space<vmem>>) target(%dma_start3A_88 : memref<10240x128xbf16, #tpu.memory_space<vmem_shared>>) offsets(%dma_start3A_85 : memref<80xi32, #tpu.memory_space<vmem>>) semaphore(%arg19 : memref<!tpu.dma_semaphore, #tpu.memory_space<semaphore_mem>>) {add = true}
      %ge3A = arith.constant 2 : i32
      %ge3A_89 = arith.cmpi sge, %add3A_76, %ge3A : i32
      %convert_element_type3A = arith.extui %ge3A_89 : i1 to i32
      %cond3A = arith.constant 0 : i32
      %cond3A_90 = arith.cmpi ne, %convert_element_type3A, %cond3A : i32
      scf.if %cond3A_90 {
        %sub3A = arith.constant 2 : i32
        %sub3A_209 = arith.subi %add3A_76, %sub3A : i32
        %dma_wait3A_210 = arith.constant 0 : i32
        %dma_wait3A_211 = tpu.memref_slice %arg6[%sub3A_209, %dma_wait3A_210] : memref<125x80xi32, #tpu.memory_space<vmem>> -> memref<1x80xi32, #tpu.memory_space<vmem>>
        %dma_wait3A_212 = tpu.memref_squeeze %dma_wait3A_211 : memref<1x80xi32, #tpu.memory_space<vmem>> -> memref<80xi32, #tpu.memory_space<vmem>>
        %dma_wait3A_213 = arith.constant 0 : i32
        %dma_wait3A_214 = arith.constant 0 : i32
        %dma_wait3A_215 = tpu.memref_slice %arg13[%dma_wait3A_213, %dma_wait3A_214] : memref<10240x128xbf16, #tpu.memory_space<vmem_shared>> -> memref<10240x128xbf16, #tpu.memory_space<vmem_shared>>
        tpu.wait_indirect_dma semaphore(%arg22 : memref<!tpu.dma_semaphore, #tpu.memory_space<semaphore_mem>>) src(%arg10 : memref<80x128xbf16, #tpu.memory_space<vmem>>) dst(%dma_wait3A_215 : memref<10240x128xbf16, #tpu.memory_space<vmem_shared>>)
      } else {
      }
      %add3A_91 = arith.constant 3 : i32
      %add3A_92 = arith.addi %add3A_76, %add3A_91 : i32
      %lt3A = arith.constant 125 : i32
      %lt3A_93 = arith.cmpi slt, %add3A_92, %lt3A : i32
      %convert_element_type3A_94 = arith.extui %lt3A_93 : i1 to i32
      %cond3A_95 = arith.constant 0 : i32
      %cond3A_96 = arith.cmpi ne, %convert_element_type3A_94, %cond3A_95 : i32
      scf.if %cond3A_96 {
        %add3A_209 = arith.constant 3 : i32
        %add3A_210 = arith.addi %add3A_76, %add3A_209 : i32
        %dma_start3A_211 = arith.constant 0 : i32
        %dma_start3A_212 = tpu.memref_slice %arg5[%add3A_210, %dma_start3A_211] : memref<125x80xi32, #tpu.memory_space<vmem>> -> memref<1x80xi32, #tpu.memory_space<vmem>>
        %dma_start3A_213 = tpu.memref_squeeze %dma_start3A_212 : memref<1x80xi32, #tpu.memory_space<vmem>> -> memref<80xi32, #tpu.memory_space<vmem>>
        %dma_start3A_214 = arith.constant 0 : i32
        %dma_start3A_215 = arith.constant 0 : i32
        %dma_start3A_216 = tpu.memref_slice %arg2[%dma_start3A_214, %dma_start3A_215] : memref<10000x128xbf16, #tpu.memory_space<hbm>> -> memref<10000x128xbf16, #tpu.memory_space<hbm>>
        tpu.enqueue_indirect_dma source(%dma_start3A_216 : memref<10000x128xbf16, #tpu.memory_space<hbm>>) target(%arg10 : memref<80x128xbf16, #tpu.memory_space<vmem>>) offsets(%dma_start3A_213 : memref<80xi32, #tpu.memory_space<vmem>>) semaphore(%arg17 : memref<!tpu.dma_semaphore, #tpu.memory_space<semaphore_mem>>)
      } else {
      }
      %mul3A_97 = arith.constant 5 : i32
      %mul3A_98 = arith.muli %mul3A_97, %scan3A_72 : i32
      %add3A_99 = arith.constant 1 : i32
      %add3A_100 = arith.addi %mul3A_98, %add3A_99 : i32
      %dma_wait3A_101 = arith.constant 0 : i32
      %dma_wait3A_102 = tpu.memref_slice %arg5[%add3A_100, %dma_wait3A_101] : memref<125x80xi32, #tpu.memory_space<vmem>> -> memref<1x80xi32, #tpu.memory_space<vmem>>
      %dma_wait3A_103 = tpu.memref_squeeze %dma_wait3A_102 : memref<1x80xi32, #tpu.memory_space<vmem>> -> memref<80xi32, #tpu.memory_space<vmem>>
      %dma_wait3A_104 = arith.constant 0 : i32
      %dma_wait3A_105 = arith.constant 0 : i32
      %dma_wait3A_106 = tpu.memref_slice %arg2[%dma_wait3A_104, %dma_wait3A_105] : memref<10000x128xbf16, #tpu.memory_space<hbm>> -> memref<10000x128xbf16, #tpu.memory_space<hbm>>
      tpu.wait_indirect_dma semaphore(%arg15 : memref<!tpu.dma_semaphore, #tpu.memory_space<semaphore_mem>>) src(%dma_wait3A_106 : memref<10000x128xbf16, #tpu.memory_space<hbm>>) dst(%arg8 : memref<80x128xbf16, #tpu.memory_space<vmem>>)
      %dma_start3A_107 = arith.constant 0 : i32
      %dma_start3A_108 = tpu.memref_slice %arg6[%add3A_100, %dma_start3A_107] : memref<125x80xi32, #tpu.memory_space<vmem>> -> memref<1x80xi32, #tpu.memory_space<vmem>>
      %dma_start3A_109 = tpu.memref_squeeze %dma_start3A_108 : memref<1x80xi32, #tpu.memory_space<vmem>> -> memref<80xi32, #tpu.memory_space<vmem>>
      %dma_start3A_110 = arith.constant 0 : i32
      %dma_start3A_111 = arith.constant 0 : i32
      %dma_start3A_112 = tpu.memref_slice %arg13[%dma_start3A_110, %dma_start3A_111] : memref<10240x128xbf16, #tpu.memory_space<vmem_shared>> -> memref<10240x128xbf16, #tpu.memory_space<vmem_shared>>
      tpu.enqueue_indirect_dma source(%arg8 : memref<80x128xbf16, #tpu.memory_space<vmem>>) target(%dma_start3A_112 : memref<10240x128xbf16, #tpu.memory_space<vmem_shared>>) offsets(%dma_start3A_109 : memref<80xi32, #tpu.memory_space<vmem>>) semaphore(%arg20 : memref<!tpu.dma_semaphore, #tpu.memory_space<semaphore_mem>>) {add = true}
      %ge3A_113 = arith.constant 2 : i32
      %ge3A_114 = arith.cmpi sge, %add3A_100, %ge3A_113 : i32
      %convert_element_type3A_115 = arith.extui %ge3A_114 : i1 to i32
      %cond3A_116 = arith.constant 0 : i32
      %cond3A_117 = arith.cmpi ne, %convert_element_type3A_115, %cond3A_116 : i32
      scf.if %cond3A_117 {
        %sub3A = arith.constant 2 : i32
        %sub3A_209 = arith.subi %add3A_100, %sub3A : i32
        %dma_wait3A_210 = arith.constant 0 : i32
        %dma_wait3A_211 = tpu.memref_slice %arg6[%sub3A_209, %dma_wait3A_210] : memref<125x80xi32, #tpu.memory_space<vmem>> -> memref<1x80xi32, #tpu.memory_space<vmem>>
        %dma_wait3A_212 = tpu.memref_squeeze %dma_wait3A_211 : memref<1x80xi32, #tpu.memory_space<vmem>> -> memref<80xi32, #tpu.memory_space<vmem>>
        %dma_wait3A_213 = arith.constant 0 : i32
        %dma_wait3A_214 = arith.constant 0 : i32
        %dma_wait3A_215 = tpu.memref_slice %arg13[%dma_wait3A_213, %dma_wait3A_214] : memref<10240x128xbf16, #tpu.memory_space<vmem_shared>> -> memref<10240x128xbf16, #tpu.memory_space<vmem_shared>>
        tpu.wait_indirect_dma semaphore(%arg23 : memref<!tpu.dma_semaphore, #tpu.memory_space<semaphore_mem>>) src(%arg11 : memref<80x128xbf16, #tpu.memory_space<vmem>>) dst(%dma_wait3A_215 : memref<10240x128xbf16, #tpu.memory_space<vmem_shared>>)
      } else {
      }
      %add3A_118 = arith.constant 3 : i32
      %add3A_119 = arith.addi %add3A_100, %add3A_118 : i32
      %lt3A_120 = arith.constant 125 : i32
      %lt3A_121 = arith.cmpi slt, %add3A_119, %lt3A_120 : i32
      %convert_element_type3A_122 = arith.extui %lt3A_121 : i1 to i32
      %cond3A_123 = arith.constant 0 : i32
      %cond3A_124 = arith.cmpi ne, %convert_element_type3A_122, %cond3A_123 : i32
      scf.if %cond3A_124 {
        %add3A_209 = arith.constant 3 : i32
        %add3A_210 = arith.addi %add3A_100, %add3A_209 : i32
        %dma_start3A_211 = arith.constant 0 : i32
        %dma_start3A_212 = tpu.memref_slice %arg5[%add3A_210, %dma_start3A_211] : memref<125x80xi32, #tpu.memory_space<vmem>> -> memref<1x80xi32, #tpu.memory_space<vmem>>
        %dma_start3A_213 = tpu.memref_squeeze %dma_start3A_212 : memref<1x80xi32, #tpu.memory_space<vmem>> -> memref<80xi32, #tpu.memory_space<vmem>>
        %dma_start3A_214 = arith.constant 0 : i32
        %dma_start3A_215 = arith.constant 0 : i32
        %dma_start3A_216 = tpu.memref_slice %arg2[%dma_start3A_214, %dma_start3A_215] : memref<10000x128xbf16, #tpu.memory_space<hbm>> -> memref<10000x128xbf16, #tpu.memory_space<hbm>>
        tpu.enqueue_indirect_dma source(%dma_start3A_216 : memref<10000x128xbf16, #tpu.memory_space<hbm>>) target(%arg11 : memref<80x128xbf16, #tpu.memory_space<vmem>>) offsets(%dma_start3A_213 : memref<80xi32, #tpu.memory_space<vmem>>) semaphore(%arg18 : memref<!tpu.dma_semaphore, #tpu.memory_space<semaphore_mem>>)
      } else {
      }
      %mul3A_125 = arith.constant 5 : i32
      %mul3A_126 = arith.muli %mul3A_125, %scan3A_72 : i32
      %add3A_127 = arith.constant 2 : i32
      %add3A_128 = arith.addi %mul3A_126, %add3A_127 : i32
      %dma_wait3A_129 = arith.constant 0 : i32
      %dma_wait3A_130 = tpu.memref_slice %arg5[%add3A_128, %dma_wait3A_129] : memref<125x80xi32, #tpu.memory_space<vmem>> -> memref<1x80xi32, #tpu.memory_space<vmem>>
      %dma_wait3A_131 = tpu.memref_squeeze %dma_wait3A_130 : memref<1x80xi32, #tpu.memory_space<vmem>> -> memref<80xi32, #tpu.memory_space<vmem>>
      %dma_wait3A_132 = arith.constant 0 : i32
      %dma_wait3A_133 = arith.constant 0 : i32
      %dma_wait3A_134 = tpu.memref_slice %arg2[%dma_wait3A_132, %dma_wait3A_133] : memref<10000x128xbf16, #tpu.memory_space<hbm>> -> memref<10000x128xbf16, #tpu.memory_space<hbm>>
      tpu.wait_indirect_dma semaphore(%arg16 : memref<!tpu.dma_semaphore, #tpu.memory_space<semaphore_mem>>) src(%dma_wait3A_134 : memref<10000x128xbf16, #tpu.memory_space<hbm>>) dst(%arg9 : memref<80x128xbf16, #tpu.memory_space<vmem>>)
      %dma_start3A_135 = arith.constant 0 : i32
      %dma_start3A_136 = tpu.memref_slice %arg6[%add3A_128, %dma_start3A_135] : memref<125x80xi32, #tpu.memory_space<vmem>> -> memref<1x80xi32, #tpu.memory_space<vmem>>
      %dma_start3A_137 = tpu.memref_squeeze %dma_start3A_136 : memref<1x80xi32, #tpu.memory_space<vmem>> -> memref<80xi32, #tpu.memory_space<vmem>>
      %dma_start3A_138 = arith.constant 0 : i32
      %dma_start3A_139 = arith.constant 0 : i32
      %dma_start3A_140 = tpu.memref_slice %arg13[%dma_start3A_138, %dma_start3A_139] : memref<10240x128xbf16, #tpu.memory_space<vmem_shared>> -> memref<10240x128xbf16, #tpu.memory_space<vmem_shared>>
      tpu.enqueue_indirect_dma source(%arg9 : memref<80x128xbf16, #tpu.memory_space<vmem>>) target(%dma_start3A_140 : memref<10240x128xbf16, #tpu.memory_space<vmem_shared>>) offsets(%dma_start3A_137 : memref<80xi32, #tpu.memory_space<vmem>>) semaphore(%arg21 : memref<!tpu.dma_semaphore, #tpu.memory_space<semaphore_mem>>) {add = true}
      %ge3A_141 = arith.constant 2 : i32
      %ge3A_142 = arith.cmpi sge, %add3A_128, %ge3A_141 : i32
      %convert_element_type3A_143 = arith.extui %ge3A_142 : i1 to i32
      %cond3A_144 = arith.constant 0 : i32
      %cond3A_145 = arith.cmpi ne, %convert_element_type3A_143, %cond3A_144 : i32
      scf.if %cond3A_145 {
        %sub3A = arith.constant 2 : i32
        %sub3A_209 = arith.subi %add3A_128, %sub3A : i32
        %dma_wait3A_210 = arith.constant 0 : i32
        %dma_wait3A_211 = tpu.memref_slice %arg6[%sub3A_209, %dma_wait3A_210] : memref<125x80xi32, #tpu.memory_space<vmem>> -> memref<1x80xi32, #tpu.memory_space<vmem>>
        %dma_wait3A_212 = tpu.memref_squeeze %dma_wait3A_211 : memref<1x80xi32, #tpu.memory_space<vmem>> -> memref<80xi32, #tpu.memory_space<vmem>>
        %dma_wait3A_213 = arith.constant 0 : i32
        %dma_wait3A_214 = arith.constant 0 : i32
        %dma_wait3A_215 = tpu.memref_slice %arg13[%dma_wait3A_213, %dma_wait3A_214] : memref<10240x128xbf16, #tpu.memory_space<vmem_shared>> -> memref<10240x128xbf16, #tpu.memory_space<vmem_shared>>
        tpu.wait_indirect_dma semaphore(%arg19 : memref<!tpu.dma_semaphore, #tpu.memory_space<semaphore_mem>>) src(%arg7 : memref<80x128xbf16, #tpu.memory_space<vmem>>) dst(%dma_wait3A_215 : memref<10240x128xbf16, #tpu.memory_space<vmem_shared>>)
      } else {
      }
      %add3A_146 = arith.constant 3 : i32
      %add3A_147 = arith.addi %add3A_128, %add3A_146 : i32
      %lt3A_148 = arith.constant 125 : i32
      %lt3A_149 = arith.cmpi slt, %add3A_147, %lt3A_148 : i32
      %convert_element_type3A_150 = arith.extui %lt3A_149 : i1 to i32
      %cond3A_151 = arith.constant 0 : i32
      %cond3A_152 = arith.cmpi ne, %convert_element_type3A_150, %cond3A_151 : i32
      scf.if %cond3A_152 {
        %add3A_209 = arith.constant 3 : i32
        %add3A_210 = arith.addi %add3A_128, %add3A_209 : i32
        %dma_start3A_211 = arith.constant 0 : i32
        %dma_start3A_212 = tpu.memref_slice %arg5[%add3A_210, %dma_start3A_211] : memref<125x80xi32, #tpu.memory_space<vmem>> -> memref<1x80xi32, #tpu.memory_space<vmem>>
        %dma_start3A_213 = tpu.memref_squeeze %dma_start3A_212 : memref<1x80xi32, #tpu.memory_space<vmem>> -> memref<80xi32, #tpu.memory_space<vmem>>
        %dma_start3A_214 = arith.constant 0 : i32
        %dma_start3A_215 = arith.constant 0 : i32
        %dma_start3A_216 = tpu.memref_slice %arg2[%dma_start3A_214, %dma_start3A_215] : memref<10000x128xbf16, #tpu.memory_space<hbm>> -> memref<10000x128xbf16, #tpu.memory_space<hbm>>
        tpu.enqueue_indirect_dma source(%dma_start3A_216 : memref<10000x128xbf16, #tpu.memory_space<hbm>>) target(%arg7 : memref<80x128xbf16, #tpu.memory_space<vmem>>) offsets(%dma_start3A_213 : memref<80xi32, #tpu.memory_space<vmem>>) semaphore(%arg14 : memref<!tpu.dma_semaphore, #tpu.memory_space<semaphore_mem>>)
      } else {
      }
      %mul3A_153 = arith.constant 5 : i32
      %mul3A_154 = arith.muli %mul3A_153, %scan3A_72 : i32
      %add3A_155 = arith.constant 3 : i32
      %add3A_156 = arith.addi %mul3A_154, %add3A_155 : i32
      %dma_wait3A_157 = arith.constant 0 : i32
      %dma_wait3A_158 = tpu.memref_slice %arg5[%add3A_156, %dma_wait3A_157] : memref<125x80xi32, #tpu.memory_space<vmem>> -> memref<1x80xi32, #tpu.memory_space<vmem>>
      %dma_wait3A_159 = tpu.memref_squeeze %dma_wait3A_158 : memref<1x80xi32, #tpu.memory_space<vmem>> -> memref<80xi32, #tpu.memory_space<vmem>>
      %dma_wait3A_160 = arith.constant 0 : i32
      %dma_wait3A_161 = arith.constant 0 : i32
      %dma_wait3A_162 = tpu.memref_slice %arg2[%dma_wait3A_160, %dma_wait3A_161] : memref<10000x128xbf16, #tpu.memory_space<hbm>> -> memref<10000x128xbf16, #tpu.memory_space<hbm>>
      tpu.wait_indirect_dma semaphore(%arg17 : memref<!tpu.dma_semaphore, #tpu.memory_space<semaphore_mem>>) src(%dma_wait3A_162 : memref<10000x128xbf16, #tpu.memory_space<hbm>>) dst(%arg10 : memref<80x128xbf16, #tpu.memory_space<vmem>>)
      %dma_start3A_163 = arith.constant 0 : i32
      %dma_start3A_164 = tpu.memref_slice %arg6[%add3A_156, %dma_start3A_163] : memref<125x80xi32, #tpu.memory_space<vmem>> -> memref<1x80xi32, #tpu.memory_space<vmem>>
      %dma_start3A_165 = tpu.memref_squeeze %dma_start3A_164 : memref<1x80xi32, #tpu.memory_space<vmem>> -> memref<80xi32, #tpu.memory_space<vmem>>
      %dma_start3A_166 = arith.constant 0 : i32
      %dma_start3A_167 = arith.constant 0 : i32
      %dma_start3A_168 = tpu.memref_slice %arg13[%dma_start3A_166, %dma_start3A_167] : memref<10240x128xbf16, #tpu.memory_space<vmem_shared>> -> memref<10240x128xbf16, #tpu.memory_space<vmem_shared>>
      tpu.enqueue_indirect_dma source(%arg10 : memref<80x128xbf16, #tpu.memory_space<vmem>>) target(%dma_start3A_168 : memref<10240x128xbf16, #tpu.memory_space<vmem_shared>>) offsets(%dma_start3A_165 : memref<80xi32, #tpu.memory_space<vmem>>) semaphore(%arg22 : memref<!tpu.dma_semaphore, #tpu.memory_space<semaphore_mem>>) {add = true}
      %ge3A_169 = arith.constant 2 : i32
      %ge3A_170 = arith.cmpi sge, %add3A_156, %ge3A_169 : i32
      %convert_element_type3A_171 = arith.extui %ge3A_170 : i1 to i32
      %cond3A_172 = arith.constant 0 : i32
      %cond3A_173 = arith.cmpi ne, %convert_element_type3A_171, %cond3A_172 : i32
      scf.if %cond3A_173 {
        %sub3A = arith.constant 2 : i32
        %sub3A_209 = arith.subi %add3A_156, %sub3A : i32
        %dma_wait3A_210 = arith.constant 0 : i32
        %dma_wait3A_211 = tpu.memref_slice %arg6[%sub3A_209, %dma_wait3A_210] : memref<125x80xi32, #tpu.memory_space<vmem>> -> memref<1x80xi32, #tpu.memory_space<vmem>>
        %dma_wait3A_212 = tpu.memref_squeeze %dma_wait3A_211 : memref<1x80xi32, #tpu.memory_space<vmem>> -> memref<80xi32, #tpu.memory_space<vmem>>
        %dma_wait3A_213 = arith.constant 0 : i32
        %dma_wait3A_214 = arith.constant 0 : i32
        %dma_wait3A_215 = tpu.memref_slice %arg13[%dma_wait3A_213, %dma_wait3A_214] : memref<10240x128xbf16, #tpu.memory_space<vmem_shared>> -> memref<10240x128xbf16, #tpu.memory_space<vmem_shared>>
        tpu.wait_indirect_dma semaphore(%arg20 : memref<!tpu.dma_semaphore, #tpu.memory_space<semaphore_mem>>) src(%arg8 : memref<80x128xbf16, #tpu.memory_space<vmem>>) dst(%dma_wait3A_215 : memref<10240x128xbf16, #tpu.memory_space<vmem_shared>>)
      } else {
      }
      %add3A_174 = arith.constant 3 : i32
      %add3A_175 = arith.addi %add3A_156, %add3A_174 : i32
      %lt3A_176 = arith.constant 125 : i32
      %lt3A_177 = arith.cmpi slt, %add3A_175, %lt3A_176 : i32
      %convert_element_type3A_178 = arith.extui %lt3A_177 : i1 to i32
      %cond3A_179 = arith.constant 0 : i32
      %cond3A_180 = arith.cmpi ne, %convert_element_type3A_178, %cond3A_179 : i32
      scf.if %cond3A_180 {
        %add3A_209 = arith.constant 3 : i32
        %add3A_210 = arith.addi %add3A_156, %add3A_209 : i32
        %dma_start3A_211 = arith.constant 0 : i32
        %dma_start3A_212 = tpu.memref_slice %arg5[%add3A_210, %dma_start3A_211] : memref<125x80xi32, #tpu.memory_space<vmem>> -> memref<1x80xi32, #tpu.memory_space<vmem>>
        %dma_start3A_213 = tpu.memref_squeeze %dma_start3A_212 : memref<1x80xi32, #tpu.memory_space<vmem>> -> memref<80xi32, #tpu.memory_space<vmem>>
        %dma_start3A_214 = arith.constant 0 : i32
        %dma_start3A_215 = arith.constant 0 : i32
        %dma_start3A_216 = tpu.memref_slice %arg2[%dma_start3A_214, %dma_start3A_215] : memref<10000x128xbf16, #tpu.memory_space<hbm>> -> memref<10000x128xbf16, #tpu.memory_space<hbm>>
        tpu.enqueue_indirect_dma source(%dma_start3A_216 : memref<10000x128xbf16, #tpu.memory_space<hbm>>) target(%arg8 : memref<80x128xbf16, #tpu.memory_space<vmem>>) offsets(%dma_start3A_213 : memref<80xi32, #tpu.memory_space<vmem>>) semaphore(%arg15 : memref<!tpu.dma_semaphore, #tpu.memory_space<semaphore_mem>>)
      } else {
      }
      %mul3A_181 = arith.constant 5 : i32
      %mul3A_182 = arith.muli %mul3A_181, %scan3A_72 : i32
      %add3A_183 = arith.constant 4 : i32
      %add3A_184 = arith.addi %mul3A_182, %add3A_183 : i32
      %dma_wait3A_185 = arith.constant 0 : i32
      %dma_wait3A_186 = tpu.memref_slice %arg5[%add3A_184, %dma_wait3A_185] : memref<125x80xi32, #tpu.memory_space<vmem>> -> memref<1x80xi32, #tpu.memory_space<vmem>>
      %dma_wait3A_187 = tpu.memref_squeeze %dma_wait3A_186 : memref<1x80xi32, #tpu.memory_space<vmem>> -> memref<80xi32, #tpu.memory_space<vmem>>
      %dma_wait3A_188 = arith.constant 0 : i32
      %dma_wait3A_189 = arith.constant 0 : i32
      %dma_wait3A_190 = tpu.memref_slice %arg2[%dma_wait3A_188, %dma_wait3A_189] : memref<10000x128xbf16, #tpu.memory_space<hbm>> -> memref<10000x128xbf16, #tpu.memory_space<hbm>>
      tpu.wait_indirect_dma semaphore(%arg18 : memref<!tpu.dma_semaphore, #tpu.memory_space<semaphore_mem>>) src(%dma_wait3A_190 : memref<10000x128xbf16, #tpu.memory_space<hbm>>) dst(%arg11 : memref<80x128xbf16, #tpu.memory_space<vmem>>)
      %dma_start3A_191 = arith.constant 0 : i32
      %dma_start3A_192 = tpu.memref_slice %arg6[%add3A_184, %dma_start3A_191] : memref<125x80xi32, #tpu.memory_space<vmem>> -> memref<1x80xi32, #tpu.memory_space<vmem>>
      %dma_start3A_193 = tpu.memref_squeeze %dma_start3A_192 : memref<1x80xi32, #tpu.memory_space<vmem>> -> memref<80xi32, #tpu.memory_space<vmem>>
      %dma_start3A_194 = arith.constant 0 : i32
      %dma_start3A_195 = arith.constant 0 : i32
      %dma_start3A_196 = tpu.memref_slice %arg13[%dma_start3A_194, %dma_start3A_195] : memref<10240x128xbf16, #tpu.memory_space<vmem_shared>> -> memref<10240x128xbf16, #tpu.memory_space<vmem_shared>>
      tpu.enqueue_indirect_dma source(%arg11 : memref<80x128xbf16, #tpu.memory_space<vmem>>) target(%dma_start3A_196 : memref<10240x128xbf16, #tpu.memory_space<vmem_shared>>) offsets(%dma_start3A_193 : memref<80xi32, #tpu.memory_space<vmem>>) semaphore(%arg23 : memref<!tpu.dma_semaphore, #tpu.memory_space<semaphore_mem>>) {add = true}
      %ge3A_197 = arith.constant 2 : i32
      %ge3A_198 = arith.cmpi sge, %add3A_184, %ge3A_197 : i32
      %convert_element_type3A_199 = arith.extui %ge3A_198 : i1 to i32
      %cond3A_200 = arith.constant 0 : i32
      %cond3A_201 = arith.cmpi ne, %convert_element_type3A_199, %cond3A_200 : i32
      scf.if %cond3A_201 {
        %sub3A = arith.constant 2 : i32
        %sub3A_209 = arith.subi %add3A_184, %sub3A : i32
        %dma_wait3A_210 = arith.constant 0 : i32
        %dma_wait3A_211 = tpu.memref_slice %arg6[%sub3A_209, %dma_wait3A_210] : memref<125x80xi32, #tpu.memory_space<vmem>> -> memref<1x80xi32, #tpu.memory_space<vmem>>
        %dma_wait3A_212 = tpu.memref_squeeze %dma_wait3A_211 : memref<1x80xi32, #tpu.memory_space<vmem>> -> memref<80xi32, #tpu.memory_space<vmem>>
        %dma_wait3A_213 = arith.constant 0 : i32
        %dma_wait3A_214 = arith.constant 0 : i32
        %dma_wait3A_215 = tpu.memref_slice %arg13[%dma_wait3A_213, %dma_wait3A_214] : memref<10240x128xbf16, #tpu.memory_space<vmem_shared>> -> memref<10240x128xbf16, #tpu.memory_space<vmem_shared>>
        tpu.wait_indirect_dma semaphore(%arg21 : memref<!tpu.dma_semaphore, #tpu.memory_space<semaphore_mem>>) src(%arg9 : memref<80x128xbf16, #tpu.memory_space<vmem>>) dst(%dma_wait3A_215 : memref<10240x128xbf16, #tpu.memory_space<vmem_shared>>)
      } else {
      }
      %add3A_202 = arith.constant 3 : i32
      %add3A_203 = arith.addi %add3A_184, %add3A_202 : i32
      %lt3A_204 = arith.constant 125 : i32
      %lt3A_205 = arith.cmpi slt, %add3A_203, %lt3A_204 : i32
      %convert_element_type3A_206 = arith.extui %lt3A_205 : i1 to i32
      %cond3A_207 = arith.constant 0 : i32
      %cond3A_208 = arith.cmpi ne, %convert_element_type3A_206, %cond3A_207 : i32
      scf.if %cond3A_208 {
        %add3A_209 = arith.constant 3 : i32
        %add3A_210 = arith.addi %add3A_184, %add3A_209 : i32
        %dma_start3A_211 = arith.constant 0 : i32
        %dma_start3A_212 = tpu.memref_slice %arg5[%add3A_210, %dma_start3A_211] : memref<125x80xi32, #tpu.memory_space<vmem>> -> memref<1x80xi32, #tpu.memory_space<vmem>>
        %dma_start3A_213 = tpu.memref_squeeze %dma_start3A_212 : memref<1x80xi32, #tpu.memory_space<vmem>> -> memref<80xi32, #tpu.memory_space<vmem>>
        %dma_start3A_214 = arith.constant 0 : i32
        %dma_start3A_215 = arith.constant 0 : i32
        %dma_start3A_216 = tpu.memref_slice %arg2[%dma_start3A_214, %dma_start3A_215] : memref<10000x128xbf16, #tpu.memory_space<hbm>> -> memref<10000x128xbf16, #tpu.memory_space<hbm>>
        tpu.enqueue_indirect_dma source(%dma_start3A_216 : memref<10000x128xbf16, #tpu.memory_space<hbm>>) target(%arg9 : memref<80x128xbf16, #tpu.memory_space<vmem>>) offsets(%dma_start3A_213 : memref<80xi32, #tpu.memory_space<vmem>>) semaphore(%arg16 : memref<!tpu.dma_semaphore, #tpu.memory_space<semaphore_mem>>)
      } else {
      }
    }
    %scan3A_53 = arith.constant 25 : i32
    %dma_wait3A = arith.constant 123 : i32
    %dma_wait3A_54 = arith.constant 0 : i32
    %dma_wait3A_55 = tpu.memref_slice %arg6[%dma_wait3A, %dma_wait3A_54] : memref<125x80xi32, #tpu.memory_space<vmem>> -> memref<1x80xi32, #tpu.memory_space<vmem>>
    %dma_wait3A_56 = tpu.memref_squeeze %dma_wait3A_55 : memref<1x80xi32, #tpu.memory_space<vmem>> -> memref<80xi32, #tpu.memory_space<vmem>>
    %dma_wait3A_57 = arith.constant 0 : i32
    %dma_wait3A_58 = arith.constant 0 : i32
    %dma_wait3A_59 = tpu.memref_slice %arg13[%dma_wait3A_57, %dma_wait3A_58] : memref<10240x128xbf16, #tpu.memory_space<vmem_shared>> -> memref<10240x128xbf16, #tpu.memory_space<vmem_shared>>
    tpu.wait_indirect_dma semaphore(%arg22 : memref<!tpu.dma_semaphore, #tpu.memory_space<semaphore_mem>>) src(%arg10 : memref<80x128xbf16, #tpu.memory_space<vmem>>) dst(%dma_wait3A_59 : memref<10240x128xbf16, #tpu.memory_space<vmem_shared>>)
    %dma_wait3A_60 = arith.constant 124 : i32
    %dma_wait3A_61 = arith.constant 0 : i32
    %dma_wait3A_62 = tpu.memref_slice %arg6[%dma_wait3A_60, %dma_wait3A_61] : memref<125x80xi32, #tpu.memory_space<vmem>> -> memref<1x80xi32, #tpu.memory_space<vmem>>
    %dma_wait3A_63 = tpu.memref_squeeze %dma_wait3A_62 : memref<1x80xi32, #tpu.memory_space<vmem>> -> memref<80xi32, #tpu.memory_space<vmem>>
    %dma_wait3A_64 = arith.constant 0 : i32
    %dma_wait3A_65 = arith.constant 0 : i32
    %dma_wait3A_66 = tpu.memref_slice %arg13[%dma_wait3A_64, %dma_wait3A_65] : memref<10240x128xbf16, #tpu.memory_space<vmem_shared>> -> memref<10240x128xbf16, #tpu.memory_space<vmem_shared>>
    tpu.wait_indirect_dma semaphore(%arg23 : memref<!tpu.dma_semaphore, #tpu.memory_space<semaphore_mem>>) src(%arg11 : memref<80x128xbf16, #tpu.memory_space<vmem>>) dst(%dma_wait3A_66 : memref<10240x128xbf16, #tpu.memory_space<vmem_shared>>)
    %barrier3A_67 = arith.constant 0 : index
    tpu.barrier barrier_id(%barrier3A_67)
    %mul3A_68 = arith.constant 640 : i32
    %mul3A_69 = arith.muli %arg1, %mul3A_68 : i32
    %mul3A_70 = arith.constant 640 : i32
    %mul3A_71 = arith.muli %arg1, %mul3A_70 : i32
    "tpu.region"() ({
      %run_scoped3A_72 = tpu.sem_alloc : memref<!tpu.dma_semaphore, #tpu.memory_space<semaphore_mem>>
      %dma_start3A_73 = arith.constant 0 : i32
      %dma_start3A_74 = tpu.memref_slice %arg4[%arg0, %mul3A_71, %dma_start3A_73] : memref<2x10240x128xbf16, #tpu.memory_space<hbm>> -> memref<1x640x128xbf16, #tpu.memory_space<hbm>>
      %dma_start3A_75 = tpu.memref_squeeze %dma_start3A_74 : memref<1x640x128xbf16, #tpu.memory_space<hbm>> -> memref<640x128xbf16, #tpu.memory_space<hbm>>
      %dma_start3A_76 = arith.constant 0 : i32
      %dma_start3A_77 = tpu.memref_slice %arg13[%mul3A_69, %dma_start3A_76] : memref<10240x128xbf16, #tpu.memory_space<vmem_shared>> -> memref<640x128xbf16, #tpu.memory_space<vmem_shared>>
      tpu.enqueue_dma source(%dma_start3A_77 : memref<640x128xbf16, #tpu.memory_space<vmem_shared>>) target(%dma_start3A_75 : memref<640x128xbf16, #tpu.memory_space<hbm>>) target_semaphore(%run_scoped3A_72 : memref<!tpu.dma_semaphore, #tpu.memory_space<semaphore_mem>>)
      %dma_wait3A_78 = arith.constant 0 : i32
      %dma_wait3A_79 = tpu.memref_slice %arg4[%arg0, %mul3A_71, %dma_wait3A_78] : memref<2x10240x128xbf16, #tpu.memory_space<hbm>> -> memref<1x640x128xbf16, #tpu.memory_space<hbm>>
      %dma_wait3A_80 = tpu.memref_squeeze %dma_wait3A_79 : memref<1x640x128xbf16, #tpu.memory_space<hbm>> -> memref<640x128xbf16, #tpu.memory_space<hbm>>
      %dma_wait3A_81 = arith.constant 0 : i32
      %dma_wait3A_82 = tpu.memref_slice %arg13[%mul3A_69, %dma_wait3A_81] : memref<10240x128xbf16, #tpu.memory_space<vmem_shared>> -> memref<640x128xbf16, #tpu.memory_space<vmem_shared>>
      tpu.wait_dma2 semaphore(%run_scoped3A_72 : memref<!tpu.dma_semaphore, #tpu.memory_space<semaphore_mem>>) src(%dma_wait3A_82 : memref<640x128xbf16, #tpu.memory_space<vmem_shared>>) dst(%dma_wait3A_80 : memref<640x128xbf16, #tpu.memory_space<hbm>>)
      tpu.yield
    }) : () -> ()
    return
  }
}

module attributes {stable_mosaic.version = 14 : i64} {
  func.func @_proj_body(%arg0: i32, %arg1: memref<2048x128xf32, #tpu.memory_space<vmem>>, %arg2: memref<128x128xf32, #tpu.memory_space<vmem>>, %arg3: memref<2048x128xbf16, #tpu.memory_space<vmem>>) attributes {dimension_semantics = [#tpu.dimension_semantics<arbitrary>], iteration_bounds = array<i64: 5>, scalar_prefetch = 0 : i64, scratch_operands = 0 : i64, tpu.core_type = #tpu.core_type<tc>, window_params = [{transform_indices = @transform_0, window_bounds = array<i64: 2048, 128>}, {pipeline_mode = #tpu.pipeline_mode<synchronous>, transform_indices = @transform_1, window_bounds = array<i64: 128, 128>}, {transform_indices = @transform_2, window_bounds = array<i64: 2048, 128>}]} {
    %get3A = arith.constant 0 : index
    %get3A_0 = arith.constant 0 : index
    %get3A_1 = vector.load %arg1[%get3A, %get3A_0] : memref<2048x128xf32, #tpu.memory_space<vmem>>, vector<2048x128xf32>
    %get3A_2 = arith.constant 0 : index
    %get3A_3 = arith.constant 0 : index
    %get3A_4 = vector.load %arg2[%get3A_2, %get3A_3] : memref<128x128xf32, #tpu.memory_space<vmem>>, vector<128x128xf32>
    %dot_general3A = arith.constant dense<0.000000e+00> : vector<2048x128xf32>
    %dot_general3A_5 = tpu.matmul %get3A_1, %get3A_4, %dot_general3A {dimension_numbers = #tpu.dot_dimension_numbers<[1], [0], [0], [1], [0, 0, 1, 1], [], []>, precision = #tpu.contract_precision<fp32>, transpose_lhs_hint = false} : vector<2048x128xf32>, vector<128x128xf32>, vector<2048x128xf32> -> vector<2048x128xf32>
    %convert_element_type3A = arith.truncf %dot_general3A_5 : vector<2048x128xf32> to vector<2048x128xbf16>
    %swap3A = arith.constant 0 : index
    %swap3A_6 = arith.constant 0 : index
    %swap3A_7 = vector.load %arg3[%swap3A, %swap3A_6] : memref<2048x128xbf16, #tpu.memory_space<vmem>>, vector<2048x128xbf16>
    tpu.vector_store %arg3[%swap3A, %swap3A_6], %convert_element_type3A {strides = array<i32>} : memref<2048x128xbf16, #tpu.memory_space<vmem>>, vector<2048x128xbf16>,
    return
  }
  func.func @transform_0(%arg0: i32) -> (i32, i32) {
    %c0_i32 = arith.constant 0 : i32
    %c0_i32_0 = arith.constant 0 : i32
    return %arg0, %c0_i32 : i32, i32
  }
  func.func @transform_1(%arg0: i32) -> (i32, i32) {
    %c0_i32 = arith.constant 0 : i32
    %c0_i32_0 = arith.constant 0 : i32
    %c0_i32_1 = arith.constant 0 : i32
    return %c0_i32, %c0_i32_0 : i32, i32
  }
  func.func @transform_2(%arg0: i32) -> (i32, i32) {
    %c0_i32 = arith.constant 0 : i32
    %c0_i32_0 = arith.constant 0 : i32
    return %arg0, %c0_i32 : i32, i32
  }
}

module attributes {stable_mosaic.version = 14 : i64} {
  func.func @_proj_body(%arg0: i32, %arg1: memref<2048x128xf32, #tpu.memory_space<vmem>>, %arg2: memref<128x128xf32, #tpu.memory_space<vmem>>, %arg3: memref<2048x128xf32, #tpu.memory_space<vmem>>) attributes {dimension_semantics = [#tpu.dimension_semantics<arbitrary>], iteration_bounds = array<i64: 5>, scalar_prefetch = 0 : i64, scratch_operands = 0 : i64, tpu.core_type = #tpu.core_type<tc>, window_params = [{transform_indices = @transform_0, window_bounds = array<i64: 2048, 128>}, {pipeline_mode = #tpu.pipeline_mode<synchronous>, transform_indices = @transform_1, window_bounds = array<i64: 128, 128>}, {transform_indices = @transform_2, window_bounds = array<i64: 2048, 128>}]} {
    %get3A = arith.constant 0 : index
    %get3A_0 = arith.constant 0 : index
    %get3A_1 = vector.load %arg1[%get3A, %get3A_0] : memref<2048x128xf32, #tpu.memory_space<vmem>>, vector<2048x128xf32>
    %get3A_2 = arith.constant 0 : index
    %get3A_3 = arith.constant 0 : index
    %get3A_4 = vector.load %arg2[%get3A_2, %get3A_3] : memref<128x128xf32, #tpu.memory_space<vmem>>, vector<128x128xf32>
    %dot_general3A = arith.constant dense<0.000000e+00> : vector<2048x128xf32>
    %dot_general3A_5 = tpu.matmul %get3A_1, %get3A_4, %dot_general3A {dimension_numbers = #tpu.dot_dimension_numbers<[1], [0], [0], [1], [0, 0, 1, 1], [], []>, precision = #tpu.contract_precision<fp32>, transpose_lhs_hint = false} : vector<2048x128xf32>, vector<128x128xf32>, vector<2048x128xf32> -> vector<2048x128xf32>
    %swap3A = arith.constant 0 : index
    %swap3A_6 = arith.constant 0 : index
    %swap3A_7 = vector.load %arg3[%swap3A, %swap3A_6] : memref<2048x128xf32, #tpu.memory_space<vmem>>, vector<2048x128xf32>
    tpu.vector_store %arg3[%swap3A, %swap3A_6], %dot_general3A_5 {strides = array<i32>} : memref<2048x128xf32, #tpu.memory_space<vmem>>, vector<2048x128xf32>,
    return
  }
  func.func @transform_0(%arg0: i32) -> (i32, i32) {
    %c0_i32 = arith.constant 0 : i32
    %c0_i32_0 = arith.constant 0 : i32
    return %arg0, %c0_i32 : i32, i32
  }
  func.func @transform_1(%arg0: i32) -> (i32, i32) {
    %c0_i32 = arith.constant 0 : i32
    %c0_i32_0 = arith.constant 0 : i32
    %c0_i32_1 = arith.constant 0 : i32
    return %c0_i32, %c0_i32_0 : i32, i32
  }
  func.func @transform_2(%arg0: i32) -> (i32, i32) {
    %c0_i32 = arith.constant 0 : i32
    %c0_i32_0 = arith.constant 0 : i32
    return %arg0, %c0_i32 : i32, i32
  }
}

module attributes {stable_mosaic.version = 14 : i64} {
  func.func @_tc2_body(%arg0: i32, %arg1: memref<2048x128xf32, #tpu.memory_space<vmem>>, %arg2: memref<2x2048x128xbf16, #tpu.memory_space<vmem>>, %arg3: memref<2x2048x16xf32, #tpu.memory_space<vmem>>, %arg4: memref<1x128xf32, #tpu.memory_space<vmem>>, %arg5: memref<128x128xf32, #tpu.memory_space<vmem>>, %arg6: memref<2048x128xf32, #tpu.memory_space<vmem>>, %arg7: memref<2048x128xbf16, #tpu.memory_space<vmem>>) attributes {dimension_semantics = [#tpu.dimension_semantics<arbitrary>], iteration_bounds = array<i64: 5>, scalar_prefetch = 0 : i64, scratch_operands = 0 : i64, tpu.core_type = #tpu.core_type<tc>, window_params = [{transform_indices = @transform_0, window_bounds = array<i64: 2048, 128>}, {transform_indices = @transform_1, window_bounds = array<i64: 2, 2048, 128>}, {transform_indices = @transform_2, window_bounds = array<i64: 2, 2048, 16>}, {pipeline_mode = #tpu.pipeline_mode<synchronous>, transform_indices = @transform_3, window_bounds = array<i64: 1, 128>}, {pipeline_mode = #tpu.pipeline_mode<synchronous>, transform_indices = @transform_4, window_bounds = array<i64: 128, 128>}, {transform_indices = @transform_5, window_bounds = array<i64: 2048, 128>}, {transform_indices = @transform_6, window_bounds = array<i64: 2048, 128>}]} {
    %get3A = arith.constant 0 : index
    %get3A_0 = arith.constant 0 : index
    %get3A_1 = arith.constant 0 : index
    %get3A_2 = vector.load %arg3[%get3A, %get3A_0, %get3A_1] : memref<2x2048x16xf32, #tpu.memory_space<vmem>>, vector<1x2048x1xf32>
    %get3A_3 = vector.shape_cast %get3A_2 : vector<1x2048x1xf32> to vector<2048x1xf32>
    %get3A_4 = arith.constant 1 : index
    %get3A_5 = arith.constant 0 : index
    %get3A_6 = arith.constant 0 : index
    %get3A_7 = vector.load %arg3[%get3A_4, %get3A_5, %get3A_6] : memref<2x2048x16xf32, #tpu.memory_space<vmem>>, vector<1x2048x1xf32>
    %get3A_8 = vector.shape_cast %get3A_7 : vector<1x2048x1xf32> to vector<2048x1xf32>
    %add3A = arith.addf %get3A_3, %get3A_8 : vector<2048x1xf32>
    %max3A = arith.constant 1.000000e+00 : f32
    %max3A_9 = vector.broadcast %max3A : f32 to vector<2048x1xf32>
    %max3A_10 = arith.maximumf %add3A, %max3A_9 : vector<2048x1xf32>
    %get3A_11 = arith.constant 0 : index
    %get3A_12 = arith.constant 0 : index
    %get3A_13 = arith.constant 0 : index
    %get3A_14 = vector.load %arg2[%get3A_11, %get3A_12, %get3A_13] : memref<2x2048x128xbf16, #tpu.memory_space<vmem>>, vector<1x2048x128xbf16>
    %get3A_15 = vector.shape_cast %get3A_14 : vector<1x2048x128xbf16> to vector<2048x128xbf16>
    %convert_element_type3A = arith.extf %get3A_15 : vector<2048x128xbf16> to vector<2048x128xf32>
    %get3A_16 = arith.constant 1 : index
    %get3A_17 = arith.constant 0 : index
    %get3A_18 = arith.constant 0 : index
    %get3A_19 = vector.load %arg2[%get3A_16, %get3A_17, %get3A_18] : memref<2x2048x128xbf16, #tpu.memory_space<vmem>>, vector<1x2048x128xbf16>
    %get3A_20 = vector.shape_cast %get3A_19 : vector<1x2048x128xbf16> to vector<2048x128xbf16>
    %convert_element_type3A_21 = arith.extf %get3A_20 : vector<2048x128xbf16> to vector<2048x128xf32>
    %add3A_22 = arith.addf %convert_element_type3A, %convert_element_type3A_21 : vector<2048x128xf32>
    %get3A_23 = arith.constant 0 : index
    %get3A_24 = arith.constant 0 : index
    %get3A_25 = vector.load %arg1[%get3A_23, %get3A_24] : memref<2048x128xf32, #tpu.memory_space<vmem>>, vector<2048x128xf32>
    %div3A = vector.broadcast %max3A_10 : vector<2048x1xf32> to vector<2048x128xf32>
    %div3A_26 = arith.divf %add3A_22, %div3A : vector<2048x128xf32>
    %add3A_27 = arith.addf %get3A_25, %div3A_26 : vector<2048x128xf32>
    %get3A_28 = arith.constant 0 : index
    %get3A_29 = arith.constant 0 : index
    %get3A_30 = vector.load %arg4[%get3A_28, %get3A_29] : memref<1x128xf32, #tpu.memory_space<vmem>>, vector<1x128xf32>
    %add3A_31 = vector.broadcast %get3A_30 : vector<1x128xf32> to vector<2048x128xf32>
    %add3A_32 = arith.addf %add3A_27, %add3A_31 : vector<2048x128xf32>
    %max3A_33 = arith.constant 0.000000e+00 : f32
    %max3A_34 = vector.broadcast %max3A_33 : f32 to vector<2048x128xf32>
    %max3A_35 = arith.maximumf %add3A_32, %max3A_34 : vector<2048x128xf32>
    %swap3A = arith.constant 0 : index
    %swap3A_36 = arith.constant 0 : index
    %swap3A_37 = vector.load %arg6[%swap3A, %swap3A_36] : memref<2048x128xf32, #tpu.memory_space<vmem>>, vector<2048x128xf32>
    tpu.vector_store %arg6[%swap3A, %swap3A_36], %max3A_35 {strides = array<i32>} : memref<2048x128xf32, #tpu.memory_space<vmem>>, vector<2048x128xf32>,
    %get3A_38 = arith.constant 0 : index
    %get3A_39 = arith.constant 0 : index
    %get3A_40 = vector.load %arg5[%get3A_38, %get3A_39] : memref<128x128xf32, #tpu.memory_space<vmem>>, vector<128x128xf32>
    %dot_general3A = arith.constant dense<0.000000e+00> : vector<2048x128xf32>
    %dot_general3A_41 = tpu.matmul %max3A_35, %get3A_40, %dot_general3A {dimension_numbers = #tpu.dot_dimension_numbers<[1], [0], [0], [1], [0, 0, 1, 1], [], []>, precision = #tpu.contract_precision<fp32>, transpose_lhs_hint = false} : vector<2048x128xf32>, vector<128x128xf32>, vector<2048x128xf32> -> vector<2048x128xf32>
    %convert_element_type3A_42 = arith.truncf %dot_general3A_41 : vector<2048x128xf32> to vector<2048x128xbf16>
    %swap3A_43 = arith.constant 0 : index
    %swap3A_44 = arith.constant 0 : index
    %swap3A_45 = vector.load %arg7[%swap3A_43, %swap3A_44] : memref<2048x128xbf16, #tpu.memory_space<vmem>>, vector<2048x128xbf16>
    tpu.vector_store %arg7[%swap3A_43, %swap3A_44], %convert_element_type3A_42 {strides = array<i32>} : memref<2048x128xbf16, #tpu.memory_space<vmem>>, vector<2048x128xbf16>,
    return
  }
  func.func @transform_0(%arg0: i32) -> (i32, i32) {
    %c0_i32 = arith.constant 0 : i32
    %c0_i32_0 = arith.constant 0 : i32
    return %arg0, %c0_i32 : i32, i32
  }
  func.func @transform_1(%arg0: i32) -> (i32, i32, i32) {
    %c0_i32 = arith.constant 0 : i32
    %c0_i32_0 = arith.constant 0 : i32
    %c0_i32_1 = arith.constant 0 : i32
    return %c0_i32, %arg0, %c0_i32_0 : i32, i32, i32
  }
  func.func @transform_2(%arg0: i32) -> (i32, i32, i32) {
    %c0_i32 = arith.constant 0 : i32
    %c0_i32_0 = arith.constant 0 : i32
    %c0_i32_1 = arith.constant 0 : i32
    return %c0_i32, %arg0, %c0_i32_0 : i32, i32, i32
  }
  func.func @transform_3(%arg0: i32) -> (i32, i32) {
    %c0_i32 = arith.constant 0 : i32
    %c0_i32_0 = arith.constant 0 : i32
    %c0_i32_1 = arith.constant 0 : i32
    return %c0_i32, %c0_i32_0 : i32, i32
  }
  func.func @transform_4(%arg0: i32) -> (i32, i32) {
    %c0_i32 = arith.constant 0 : i32
    %c0_i32_0 = arith.constant 0 : i32
    %c0_i32_1 = arith.constant 0 : i32
    return %c0_i32, %c0_i32_0 : i32, i32
  }
  func.func @transform_5(%arg0: i32) -> (i32, i32) {
    %c0_i32 = arith.constant 0 : i32
    %c0_i32_0 = arith.constant 0 : i32
    return %arg0, %c0_i32 : i32, i32
  }
  func.func @transform_6(%arg0: i32) -> (i32, i32) {
    %c0_i32 = arith.constant 0 : i32
    %c0_i32_0 = arith.constant 0 : i32
    return %arg0, %c0_i32 : i32, i32
  }
}

module attributes {stable_mosaic.version = 14 : i64} {
  func.func @_tc3_body(%arg0: i32, %arg1: memref<2048x128xf32, #tpu.memory_space<vmem>>, %arg2: memref<2x2048x128xbf16, #tpu.memory_space<vmem>>, %arg3: memref<2x2048x16xf32, #tpu.memory_space<vmem>>, %arg4: memref<1x128xf32, #tpu.memory_space<vmem>>, %arg5: memref<2048x128xf32, #tpu.memory_space<vmem>>) attributes {dimension_semantics = [#tpu.dimension_semantics<arbitrary>], iteration_bounds = array<i64: 5>, scalar_prefetch = 0 : i64, scratch_operands = 0 : i64, tpu.core_type = #tpu.core_type<tc>, window_params = [{transform_indices = @transform_0, window_bounds = array<i64: 2048, 128>}, {transform_indices = @transform_1, window_bounds = array<i64: 2, 2048, 128>}, {transform_indices = @transform_2, window_bounds = array<i64: 2, 2048, 16>}, {pipeline_mode = #tpu.pipeline_mode<synchronous>, transform_indices = @transform_3, window_bounds = array<i64: 1, 128>}, {transform_indices = @transform_4, window_bounds = array<i64: 2048, 128>}]} {
    %get3A = arith.constant 0 : index
    %get3A_0 = arith.constant 0 : index
    %get3A_1 = arith.constant 0 : index
    %get3A_2 = vector.load %arg3[%get3A, %get3A_0, %get3A_1] : memref<2x2048x16xf32, #tpu.memory_space<vmem>>, vector<1x2048x1xf32>
    %get3A_3 = vector.shape_cast %get3A_2 : vector<1x2048x1xf32> to vector<2048x1xf32>
    %get3A_4 = arith.constant 1 : index
    %get3A_5 = arith.constant 0 : index
    %get3A_6 = arith.constant 0 : index
    %get3A_7 = vector.load %arg3[%get3A_4, %get3A_5, %get3A_6] : memref<2x2048x16xf32, #tpu.memory_space<vmem>>, vector<1x2048x1xf32>
    %get3A_8 = vector.shape_cast %get3A_7 : vector<1x2048x1xf32> to vector<2048x1xf32>
    %add3A = arith.addf %get3A_3, %get3A_8 : vector<2048x1xf32>
    %max3A = arith.constant 1.000000e+00 : f32
    %max3A_9 = vector.broadcast %max3A : f32 to vector<2048x1xf32>
    %max3A_10 = arith.maximumf %add3A, %max3A_9 : vector<2048x1xf32>
    %get3A_11 = arith.constant 0 : index
    %get3A_12 = arith.constant 0 : index
    %get3A_13 = arith.constant 0 : index
    %get3A_14 = vector.load %arg2[%get3A_11, %get3A_12, %get3A_13] : memref<2x2048x128xbf16, #tpu.memory_space<vmem>>, vector<1x2048x128xbf16>
    %get3A_15 = vector.shape_cast %get3A_14 : vector<1x2048x128xbf16> to vector<2048x128xbf16>
    %convert_element_type3A = arith.extf %get3A_15 : vector<2048x128xbf16> to vector<2048x128xf32>
    %get3A_16 = arith.constant 1 : index
    %get3A_17 = arith.constant 0 : index
    %get3A_18 = arith.constant 0 : index
    %get3A_19 = vector.load %arg2[%get3A_16, %get3A_17, %get3A_18] : memref<2x2048x128xbf16, #tpu.memory_space<vmem>>, vector<1x2048x128xbf16>
    %get3A_20 = vector.shape_cast %get3A_19 : vector<1x2048x128xbf16> to vector<2048x128xbf16>
    %convert_element_type3A_21 = arith.extf %get3A_20 : vector<2048x128xbf16> to vector<2048x128xf32>
    %add3A_22 = arith.addf %convert_element_type3A, %convert_element_type3A_21 : vector<2048x128xf32>
    %get3A_23 = arith.constant 0 : index
    %get3A_24 = arith.constant 0 : index
    %get3A_25 = vector.load %arg1[%get3A_23, %get3A_24] : memref<2048x128xf32, #tpu.memory_space<vmem>>, vector<2048x128xf32>
    %div3A = vector.broadcast %max3A_10 : vector<2048x1xf32> to vector<2048x128xf32>
    %div3A_26 = arith.divf %add3A_22, %div3A : vector<2048x128xf32>
    %add3A_27 = arith.addf %get3A_25, %div3A_26 : vector<2048x128xf32>
    %get3A_28 = arith.constant 0 : index
    %get3A_29 = arith.constant 0 : index
    %get3A_30 = vector.load %arg4[%get3A_28, %get3A_29] : memref<1x128xf32, #tpu.memory_space<vmem>>, vector<1x128xf32>
    %add3A_31 = vector.broadcast %get3A_30 : vector<1x128xf32> to vector<2048x128xf32>
    %add3A_32 = arith.addf %add3A_27, %add3A_31 : vector<2048x128xf32>
    %swap3A = arith.constant 0 : index
    %swap3A_33 = arith.constant 0 : index
    %swap3A_34 = vector.load %arg5[%swap3A, %swap3A_33] : memref<2048x128xf32, #tpu.memory_space<vmem>>, vector<2048x128xf32>
    tpu.vector_store %arg5[%swap3A, %swap3A_33], %add3A_32 {strides = array<i32>} : memref<2048x128xf32, #tpu.memory_space<vmem>>, vector<2048x128xf32>,
    return
  }
  func.func @transform_0(%arg0: i32) -> (i32, i32) {
    %c0_i32 = arith.constant 0 : i32
    %c0_i32_0 = arith.constant 0 : i32
    return %arg0, %c0_i32 : i32, i32
  }
  func.func @transform_1(%arg0: i32) -> (i32, i32, i32) {
    %c0_i32 = arith.constant 0 : i32
    %c0_i32_0 = arith.constant 0 : i32
    %c0_i32_1 = arith.constant 0 : i32
    return %c0_i32, %arg0, %c0_i32_0 : i32, i32, i32
  }
  func.func @transform_2(%arg0: i32) -> (i32, i32, i32) {
    %c0_i32 = arith.constant 0 : i32
    %c0_i32_0 = arith.constant 0 : i32
    %c0_i32_1 = arith.constant 0 : i32
    return %c0_i32, %arg0, %c0_i32_0 : i32, i32, i32
  }
  func.func @transform_3(%arg0: i32) -> (i32, i32) {
    %c0_i32 = arith.constant 0 : i32
    %c0_i32_0 = arith.constant 0 : i32
    %c0_i32_1 = arith.constant 0 : i32
    return %c0_i32, %c0_i32_0 : i32, i32
  }
  func.func @transform_4(%arg0: i32) -> (i32, i32) {
    %c0_i32 = arith.constant 0 : i32
    %c0_i32_0 = arith.constant 0 : i32
    return %arg0, %c0_i32 : i32, i32
  }
}

</mosaic_0001>

<sc_bundles>
// kernel: sage_sc_agg.3.cloned.1.call-start
scs
__scs_entry_jumppad:
0x0: {  	(pc) =	sbr.rel $0x88, $3  }
0x1: {  	(tag) =	ssettag $0x0;
	lr =	simm.s32 $0x1  }
0x2: {  	[smem:$0x3F99] =	sst lr;
	_ =	strace $0xD0000000  }
0x3: {  	_ = 	snop  }
0x4: {  	_ = 	snop  }
0x5: {  	_ = 	snop  }
0x6: {  	_ = 	snop  }
0x7: {  	_ = 	snop  }
__scs_overlays_trampoline_lowered:
0x8: {  	[smem:$0x3FA8] =	sst s0  }
0x9: {  	[smem:$0x3FA9] =	sst s1  }
0xa: {  	[smem:$0x3FAA] =	sst s2  }
0xb: {  	[smem:$0x3FAB] =	sst s3  }
0xc: {  	[smem:$0x3FAC] =	sst s4  }
0xd: {  	[smem:$0x3FAD] =	sst s5  }
0xe: {  	[smem:$0x3FAE] =	sst s6  }
0xf: {  	[smem:$0x3FAF] =	sst s7  }
0x10: {  	[smem:$0x3FB0] =	sst s8  }
0x11: {  	[smem:$0x3FB1] =	sst s9;
	s0 =	simm.s32 @!p0 $0x0  }
0x12: {  	s1 =	sld [smem:$0x3F97];
	s0 =	simm.s32 @p0 $0x1  }
0x13: {  	[smem:$0x3FB2] =	sst s0;
	s0 =	simm.s32 @!p1 $0x0  }
0x14: {  	s2 =	sld [smem:$0x3F96];
	s0 =	simm.s32 @p1 $0x1  }
0x15: {  	[smem:$0x3FB3] =	sst s0;
	s0 =	simm.s32 @!p2 $0x0  }
0x16: {  	s3 =	sld [smem:$0x3FDB];
	s0 =	simm.s32 @p2 $0x1  }
0x17: {  	s4 =	simm.s32 $0x1BF5;
	[smem:$0x3FB5] =	sst s0  }
0x18: {  	s0 =	sld [smem:$0x3F98];
	_ =	swait.ge [sflag:s4], $0x0  }
0x19: {  	s7 =	sld [smem:$0x3F99]  }
0x1a: {  	s8 =	sadd.s32 $0xFFFFE003, lr  }
0x1b: {  	s9 =	sadd.s32 $0xFFFFFEF7, lr;
	s5 =	simm.s32 $0xFFFFFFFF;
	p2 =	slt.u32 s8, $0xFFFFF086  }
0x1c: {  	p1 =	slt.u32 s9, $0xF7A;
	s5 =	simm.s32 @!p2 $0x0  }
0x1d: {  	s5 =	simm.s32 @p1 $0x1;
	p0 =	seq.s32 s7, s2  }
0x1e: {  	s7 =	smul.u32 @!p0 $0xF7A, s2;
	p2 =	seq.s32 @!p0 s5, $0x0  }
0x1f: {  	s9 =	smul.u32 $0xF7A, s1;
	s8 =	simm.s32 @!p0 $0x1BF5;
	p2 =	por !p2, p0  }
0x20: {  	[sflag:s8] =	ssyncset.s32 @!p0 $0xFFFFF086;
	s6 =	sadd.s32 @!p0 s3, s7;
	s7 =	simm.s32 @!p0 $0x108  }
0x21: {  	s3 =	sadd.s32 s3, s9;
	s6 =	sadd.s32 @!p0 $0x88, s6;
	s7 =	simm.s32 @p2 $0x1082  }
0x22: {  	[simem:s7], [sflag:s8] =	dma.local @!p0 [hbm:s6], $0xF7A  }
0x23: {  	s9 =	sor.u32 $0xD0000000, s2;
	s6 =	simm.s32 $0x108;
	_ =	swait.ge @!p0 [sflag:s8], $0x0  }
0x24: {  	s3 =	sadd.s32 $0x88, s3;
	s6 =	simm.s32 @!p1 $0x1082;
	[sflag:s4] =	ssyncset.s32 $0xFFFFF086  }
0x25: {  	[simem:s6], [sflag:s4] =	dma.local [hbm:s3], $0xF7A  }
0x26: {  	[smem:$0x3F99] =	sst s1;
	(tag) =	ssettag s2;
	_ =	strace s9  }
0x27: {  	s1 =	sld [smem:$0x3FA9]  }
0x28: {  	s2 =	sld [smem:$0x3FAA]  }
0x29: {  	s4 =	sld [smem:$0x3FAC]  }
0x2a: {  	p0 =	seq.s32 s5, $0x0;
	s5 =	sld [smem:$0x3FAD]  }
0x2b: {  	s6 =	sld [smem:$0x3FAE]  }
0x2c: {  	s7 =	sld [smem:$0x3FAF]  }
0x2d: {  	s3 =	simm.s32 $0x108;
	s8 =	sld [smem:$0x3FB0]  }
0x2e: {  	s3 =	simm.s32 @!p0 $0x1082;
	s9 =	sld [smem:$0x3FB1]  }
0x2f: {  	lr =	sadd.s32 s0, s3;
	s0 =	sld [smem:$0x3FA8]  }
0x30: {  	s3 =	sld [smem:$0x3FAB]  }
0x31: {  	[smem:$0x3FB4] =	sst s10  }
0x32: {  	s10 =	sld [smem:$0x3FB2];
	_ =	sdelay $0x3  }
0x33: {  	p0 =	seq.s32 s10, $0x1;
	s10 =	sld [smem:$0x3FB4];
	_ =	sdelay $0x3  }
0x34: {  	[smem:$0x3FB4] =	sst s10  }
0x35: {  	s10 =	sld [smem:$0x3FB3];
	_ =	sdelay $0x3  }
0x36: {  	p1 =	seq.s32 s10, $0x1;
	s10 =	sld [smem:$0x3FB4];
	_ =	sdelay $0x3  }
0x37: {  	[smem:$0x3FB4] =	sst s10  }
0x38: {  	s10 =	sld [smem:$0x3FB5]  }
0x39: {  	_ = 	snop;
	(pc) =	sbr.ind lr, $3  }
0x3a: {  	_ = 	snop  }
0x3b: {  	_ = 	snop  }
0x3c: {  	p2 =	seq.s32 s10, $0x1;
	s10 =	sld [smem:$0x3FB4]  }
0x3d: {  	_ =	shalt  }
0x3e: {  	_ =	shalt  }
0x3f: {  	_ =	shalt  }
0x40: {  	_ =	shalt  }
0x41: {  	_ =	shalt  }
0x42: {  	_ =	shalt  }
0x43: {  	_ =	shalt  }
0x44: {  	_ =	shalt  }
0x45: {  	_ =	shalt  }
0x46: {  	_ =	shalt  }
0x47: {  	_ =	shalt  }
0x48: {  	_ =	shalt  }
0x49: {  	_ =	shalt  }
0x4a: {  	_ =	shalt  }
0x4b: {  	_ =	shalt  }
0x4c: {  	_ =	shalt  }
0x4d: {  	_ =	shalt  }
0x4e: {  	_ =	shalt  }
0x4f: {  	_ =	shalt  }
0x50: {  	_ =	shalt  }
0x51: {  	_ =	shalt  }
0x52: {  	_ =	shalt  }
0x53: {  	_ =	shalt  }
0x54: {  	_ =	shalt  }
0x55: {  	_ =	shalt  }
0x56: {  	_ =	shalt  }
0x57: {  	_ =	shalt  }
0x58: {  	_ =	shalt  }
0x59: {  	_ =	shalt  }
0x5a: {  	_ =	shalt  }
0x5b: {  	_ =	shalt  }
0x5c: {  	_ =	shalt  }
0x5d: {  	_ =	shalt  }
0x5e: {  	_ =	shalt  }
0x5f: {  	_ =	shalt  }
0x60: {  	_ =	shalt  }
0x61: {  	_ =	shalt  }
0x62: {  	_ =	shalt  }
0x63: {  	_ =	shalt  }
0x64: {  	_ =	shalt  }
0x65: {  	_ =	shalt  }
0x66: {  	_ =	shalt  }
0x67: {  	_ =	shalt  }
0x68: {  	_ =	shalt  }
0x69: {  	_ =	shalt  }
0x6a: {  	_ =	shalt  }
0x6b: {  	_ =	shalt  }
0x6c: {  	_ =	shalt  }
0x6d: {  	_ =	shalt  }
0x6e: {  	_ =	shalt  }
0x6f: {  	_ =	shalt  }
0x70: {  	_ =	shalt  }
0x71: {  	_ =	shalt  }
0x72: {  	_ =	shalt  }
0x73: {  	_ =	shalt  }
0x74: {  	_ =	shalt  }
0x75: {  	_ =	shalt  }
0x76: {  	_ =	shalt  }
0x77: {  	_ =	shalt  }
0x78: {  	_ =	shalt  }
0x79: {  	_ =	shalt  }
0x7a: {  	_ =	shalt  }
0x7b: {  	_ =	shalt  }
0x7c: {  	_ =	shalt  }
0x7d: {  	_ =	shalt  }
0x7e: {  	_ =	shalt  }
0x7f: {  	_ =	shalt  }
0x80: {  	_ =	shalt  }
0x81: {  	_ =	shalt  }
0x82: {  	_ =	shalt  }
0x83: {  	_ =	shalt  }
0x84: {  	_ =	shalt  }
0x85: {  	_ =	shalt  }
0x86: {  	_ =	shalt  }
0x87: {  	_ =	shalt  }
.Lfunc_end0:
.L_simem_size_0:
called_computation.1_lowered:
.L_overlay_start_0:
0x88: {  	s2 =	sld [smem:$0x3FD9]  }
0x89: {  	s3 =	sld [smem:$0x3FFE];
	_ =	sdelay $0x1  }
0x8a: {  	s1 =	srdreg.scid  }
0x8b: {  	s0 =	sand.u32 $0x1, s1  }
0x8c: {  	s17 =	sshll.u32 s0, $0xA;
	s2 =	sadd.s32 s3, s2  }
0x8d: {  	s2 =	sadd.s32 s2, s17  }
0x8e: {  	[smem:$0x3FC0] =	sst s2  }
0x8f: {  	_ = 	snop  }
0x90: {  	s2 =	sld [smem:$0x3FD0];
	(tm) =	ssettm $0x1  }
0x91: {  	s18 =	sld [smem:$0x3FFB];
	_ =	sdelay $0x3  }
0x92: {  	_ =	strace s18  }
0x93: {  	s3 =	sld [smem:$0x3FFC];
	_ =	sdelay $0x3  }
0x94: {  	_ =	strace s3  }
0x95: {  	s3 =	sld [smem:$0x3FFD];
	_ =	sdelay $0x3  }
0x96: {  	_ =	strace s3  }
0x97: {  	_ =	strace $0x8FFFFFFF  }
0x98: {  	s19 =	sld [smem:$0x3FDB];
	_ =	sdelay $0x1  }
0x99: {  	s4 =	simm.s32 $_scs_section_size  }
0x9a: {  	s5 =	simm.s32 $_size__tile_overlayer_lowered;
	s6 =	simm.s32 $_tile_overlayer_lowered  }
0x9b: {  	s22 =	simm.s32 $0x1BFF;
	s21 =	sshll.u32 s6, $0x1;
	s3 =	sadd.s32 s4, s19  }
0x9c: {  	s7 =	simm.s32 $0x0;
	s20 =	sshll.u32 s5, $0x1;
	s5 =	sadd.s32 s21, s3  }
0x9d: {  	[timem:s7], [sflag:s22] =	dma.local [hbm:s5], s20  }
0x9e: {  	_ =	swait.ge [sflag:s22], s20  }
0x9f: {  	s4 =	ssub.s32 $0x0, s20;
	[sflag:s22] =	ssyncset.done $0x0  }
0xa0: {  	[sflag:s22] =	ssyncadd.s32 s4;
	_ =	sdelay $0x1  }
0xa1: {  	s23 =	simm.s32 $0x1B8B  }
0xa2: {  	_ =	swait.ge [sflag:s23], $0x1  }
0xa3: {  	[sflag:s23] =	ssyncset.done $0x0  }
0xa4: {  	s25 =	simm.s32 $0x1B8E;
	s24 =	sld [smem:$0x3FFE];
	[sflag:s23] =	ssyncadd.s32 $0xFFFFFFFF  }
0xa5: {  	s26 =	simm.s32 $execute0_lowered;
	[smem:$0x3FD2] =	sst s25  }
0xa6: {  	s5 =	sshll.u32 s26, $0x1;
	_ =	strace $0x80000049;
	[dreg:$0x1] =	wrdreg $0xFFFFFFFF  }
0xa7: {  	s28 =	simm.s32 $_size_execute0_lowered;
	s3 =	sadd.s32 s3, s5;
	[dreg:$0x0] =	wrdreg $0x0  }
0xa8: {  	s5 =	sshll.u32 s28, $0x1;
	[dreg:$0x2] =	wrdreg s3  }
0xa9: {  	[dreg:$0x3] =	wrdreg s5  }
0xaa: {  	[dreg:$0x4] =	wrdreg $0xC0  }
0xab: {  	_ =	task [dreg:s7], $0x5FFFF  }
0xac: {  	[dreg:$0x1] =	wrdreg $0xFFFFFFFF  }
0xad: {  	[dreg:$0x0] =	wrdreg $0x60  }
0xae: {  	[dreg:$0x2] =	wrdreg s2  }
0xaf: {  	[dreg:$0x3] =	wrdreg s24  }
0xb0: {  	[dreg:$0x4] =	wrdreg $0xD2200  }
0xb1: {  	[dreg:$0x5] =	wrdreg $0x9  }
0xb2: {  	_ =	task.clear_ibuf [dreg:s7], $0x6FFFF;
	_ =	strace $0x90000049  }
0xb3: {  	s29 =	simm.s32 $0x9;
	_ =	strace $0x8000004B  }
0xb4: {  	_ =	swait.ge [sflag:s29], $0x1  }
0xb5: {  	[sflag:s29] =	ssyncadd.s32 $0xFFFFFFFF  }
0xb6: {  	_ =	strace $0x9000004B  }
0xb7: {  	_ =	sfence  }
0xb8: {  	s30 =	sld [smem:$0x0];
	_ =	sdelay $0x2  }
0xb9: {  	s31 =	sshll.u32 s1, $0xD;
	s1 =	sshrl.u32 s1, $0x2  }
0xba: {  	s3 =	sand.u32 $0x4000, s31;
	s1 =	sadd.s32 s1, s30  }
0xbb: {  	s0 =	sor.u32 s3, s0;
	s1 =	sshll.u32 s1, $0x11  }
0xbc: {  	s0 =	sor.u32 s1, s0  }
0xbd: {  	s0 =	sadd.s32 $0x8F2B, s0  }
0xbe: {  	[sflag:s0] =	ssyncadd.remote.s32 $0x1  }
0xbf: {  	_ =	sfence.sel $0xFFFF  }
0xc0: {  	[dreg:$0x0] =	wrdreg $0xFFFFFFFF;
	(pc) =	sbr.abs _section_cstart, $3  }
0xc1: {  	[dreg:$0x1] =	wrdreg $0xFFFFFFFF  }
0xc2: {  	_ =	task.clear_ibuf [dreg:s7], $0x2FFFF;
	_ =	strace $0x9FFFFFFF  }
0xc3: {  	(tm) =	ssettm $0x7FFFFFFF  }
tec
execute0_lowered:
.L_overlay_start_1:
0x0: {  	(tag) =	ssettag $0x1  }
0x1: {  	s1 =	rddreg [dreg:$0x0]  }
0x2: {  	s0 =	srdreg.scid;
	s5 =	rddreg [dreg:$0x1]  }
0x3: {  	s9 =	stileid.u32;
	s3 =	rddreg [dreg:$0x2]  }
0x4: {  	s4 =	simm.s32 $0x0;
	s14 =	simm.s32 $0xB;
	s10 =	simm.s32 $0x2710  }
0x5: {  	s16 =	simm.s32 $0x50;
	s17 =	simm.s32 $0x4E20;
	s18 =	simm.s32 $0x6220  }
0x6: {  	s20 =	simm.s32 $0x7620;
	s29 =	simm.s32 $0x9E20;
	s30 =	simm.s32 $0x3  }
0x7: {  	s19 =	simm.s32 $0x4;
	s31 =	simm.s32 $0x5;
	s28 =	simm.s32 $0xA  }
0x8: {  	s0 =	sand.u32 $0x1, s0;
	s6 =	smul.u32 $0x14000, s9;
	[smem:$0x7FF] =	sst s4  }
0x9: {  	s2 =	sshll.u32 s0, $0x4;
	s7 =	smul.u32 $0x140000, s0;
	_ =	strace $0x8000004A  }
0xa: {  	s0 =	ssub.s32 $0x2, s0;
	s2 =	sor.u32 s9, s2;
	s9 =	smul.u32 $0x28000, s9  }
0xb: {  	s8 =	sshrl.u32 s0, $0x1;
	s2 =	smul.u32 $0x2710, s2;
	s7 =	sadd.s32 s6, s7  }
0xc: {  	s0 =	ssub.s32 s0, s8;
	s6 =	sshrl.u32 s6, $0x1;
	s7 =	sshrl.u32 s7, $0x4  }
0xd: {  	s22 =	sshrl.u32 s9, $0x2;
	s13 =	smax.u32 s0, $0x1;
	s0 =	simm.s32 $0x9  }
0xe: {  	s2 =	sshrl.u32 s2, $0x3;
	s23 =	sadd.s32 s22, s3;
	s22 =	simm.s32 $0x1  }
0xf: {  	s2 =	sadd.s32 s2, s5;
	s5 =	sadd.s32 s7, s5;
	s24 =	sadd.s32 $0x2000, s23  }
0x10: {  	s7 =	sadd.s32 s6, s3;
	s25 =	sadd.s32 $0x4000, s23;
	[dreg:$0x6] =	wrdreg s24  }
0x11: {  	s26 =	sadd.s32 $0x6000, s23;
	s21 =	sadd.s32 $0x2A00, s2;
	[dreg:$0x7] =	wrdreg s25  }
.Ltmp0:
0x12: {  	s2 =	sadd.s32 $0xC640, s2;
	[dreg:$0x8] =	wrdreg s26;
	(pc) =	sbr.rel .LBB2_1-.Ltmp0, $4  }
0x13: {  	s12 =	sadd.s32 $0x66400, s5;
	s24 =	simm.s32 $0x8A20;
	s25 =	simm.s32 $0x2  }
0x14: {  	s26 =	simm.s32 $0x7;
	s5 =	simm.s32 $0x0;
	[dreg:$0x4] =	wrdreg s21  }
0x15: {  	[dreg:$0x5] =	wrdreg s2;
	s2 =	sadd.s32 $0x8000, s23;
	s21 =	simm.s32 $0xB220  }
0x16: {  	v0 =	vimm.bf16 $0.0e+00;
	s23 =	simm.s32 $0x8;
	[dreg:$0x9] =	wrdreg s2;
	s2 =	simm.s32 $0x6  }
.LBB2_6:
0x17: {  	_ =	swait.ge [sflag:s0], $0x1400  }
0x18: {  	[sflag:s0] =	ssyncset.done $0x0  }
0x19: {  	[sflag:s0] =	ssyncadd.s32 $0xFFFFEC00  }
0x1a: {  	s6 =	stileid.u32;
	_ =	swait.ge [sflag:s28], $0x1400  }
0x1b: {  	s8 =	sshrl.u32 s7, $0x3;
	s5 =	sadd.s32 $0x1, s5;
	[sflag:s28] =	ssyncset.done $0x0  }
0x1c: {  	s6 =	sshll.u32 s6, $0x6;
	p0 =	sne.s32 s5, s13;
	[sflag:s28] =	ssyncadd.s32 $0xFFFFEC00  }
.Ltmp1:
0x1d: {  	s6 =	sor.u32 $0x1C0B, s6;
	[bflag:$0x0] =	sbarrier.arrive $0xFFFF;
	(pc) =	sbr.rel @!p0 .LBB2_7-.Ltmp1, $4  }
0x1e: {  	[hbm:s12], [sflag:s6] =	dma.local [spmem:s8], $0x1400  }
0x1f: {  	_ =	swait.ge [sflag:s14], $0x1400  }
0x20: {  	[sflag:s14] =	ssyncset.done $0x0  }
0x21: {  	s10 =	simm.s32 $0x2710;
	[sflag:s14] =	ssyncadd.s32 $0xFFFFEC00  }
.LBB2_1:
0x22: {  	s6 =	rddreg [dreg:$0x4]  }
0x23: {  	[tilespmem:s4], [sflag:$0xB] =	stream.linear.gather [hbm4b:s6+s4], $0x2710, $0x38;
	[tilespmem:$0x17220] =	vst v63  }
0x24: {  	_ =	swait.ge [sflag:s14], $0x2710  }
0x25: {  	[sflag:s14] =	ssyncset.done $0x0  }
0x26: {  	s11 =	rddreg [dreg:$0x5];
	[sflag:s14] =	ssyncadd.s32 $0xFFFFD8F0  }
0x27: {  	[tilespmem:s10], [sflag:$0xB] =	stream.linear.gather [hbm4b:s11+s4], $0x2710, $0x38;
	[tilespmem:$0x17220] =	vst v63  }
0x28: {  	_ =	swait.ge [sflag:s14], $0x2710  }
0x29: {  	[sflag:s14] =	ssyncset.done $0x0  }
0x2a: {  	[sflag:s14] =	ssyncadd.s32 $0xFFFFD8F0  }
0x2b: {  	[tilespmem:s17], [sflag:$0x1] =	stream.indirect.gather [hbm4b:s1+s16], $0x40, s4, s16, $0xb8;
	[tilespmem:$0x17220] =	vst v63  }
0x2c: {  	_ = 	snop  }
0x2d: {  	[tilespmem:s18], [sflag:$0x2] =	stream.indirect.gather [hbm4b:s1+s16], $0x40, s16, s16, $0xb8;
	[tilespmem:$0x17220] =	vst v63  }
0x2e: {  	s15 =	simm.s32 $0xA0;
	s8 =	simm.s32 $0x100;
	s6 =	simm.s32 $0x0  }
0x2f: {  	[tilespmem:s20], [sflag:$0x3] =	stream.indirect.gather [hbm4b:s1+s16], $0x40, s15, s16, $0xb8;
	[tilespmem:$0x17220] =	vst v63  }
.LBB2_2:
0x30: {  	p0 =	sne.s32 s8, $0x7F00;
	[tilespmem:s6+$0xB250] =	vst v0;
	s9 =	smov.u32 s8;
	s8 =	sadd.s32 $0x100, s8  }
.Ltmp2:
0x31: {  	[tilespmem:s6+$0xB240] =	vst v0;
	(pc) =	sbr.rel @p0 .LBB2_2-.Ltmp2, $3  }
0x32: {  	[tilespmem:s6+$0xB220] =	vst v0  }
0x33: {  	[tilespmem:s6+$0xB230] =	vst v0;
	_ =	sdelay $0x1  }
0x34: {  	s6 =	sshra.s32 s9, $0x2  }
0x35: {  	[tilespmem:s6+$0xB250] =	vst v0  }
0x36: {  	[tilespmem:s6+$0xB240] =	vst v0  }
0x37: {  	[tilespmem:s6+$0xB220] =	vst v0  }
0x38: {  	[tilespmem:s6+$0xB230] =	vst v0  }
0x39: {  	[spmem:s7] =	stream.linear.scatter [tilespmem:s21], [sflag:$0xB], $0x2000, $0x38;
	[tilespmem:$0x17220] =	vst v63  }
0x3a: {  	_ =	swait.ge [sflag:s14], $0x2000  }
0x3b: {  	[sflag:s14] =	ssyncset.done $0x0  }
0x3c: {  	s9 =	rddreg [dreg:$0x6];
	[sflag:s14] =	ssyncadd.s32 $0xFFFFE000  }
0x3d: {  	[spmem:s9] =	stream.linear.scatter [tilespmem:s21], [sflag:$0xB], $0x2000, $0x38;
	[tilespmem:$0x17220] =	vst v63  }
0x3e: {  	_ =	swait.ge [sflag:s14], $0x2000  }
0x3f: {  	[sflag:s14] =	ssyncset.done $0x0  }
0x40: {  	s11 =	rddreg [dreg:$0x7];
	[sflag:s14] =	ssyncadd.s32 $0xFFFFE000  }
0x41: {  	[spmem:s11] =	stream.linear.scatter [tilespmem:s21], [sflag:$0xB], $0x2000, $0x38;
	[tilespmem:$0x17220] =	vst v63  }
0x42: {  	_ =	swait.ge [sflag:s14], $0x2000  }
0x43: {  	[sflag:s14] =	ssyncset.done $0x0  }
0x44: {  	s15 =	rddreg [dreg:$0x8];
	[sflag:s14] =	ssyncadd.s32 $0xFFFFE000  }
0x45: {  	[spmem:s15] =	stream.linear.scatter [tilespmem:s21], [sflag:$0xB], $0x2000, $0x38;
	[tilespmem:$0x17220] =	vst v63  }
0x46: {  	_ =	swait.ge [sflag:s14], $0x2000  }
0x47: {  	[sflag:s14] =	ssyncset.done $0x0  }
0x48: {  	s8 =	rddreg [dreg:$0x9];
	[sflag:s14] =	ssyncadd.s32 $0xFFFFE000  }
0x49: {  	[spmem:s8] =	stream.linear.scatter [tilespmem:s21], [sflag:$0xB], $0x2000, $0x38;
	[tilespmem:$0x17220] =	vst v63  }
0x4a: {  	_ =	swait.ge [sflag:s14], $0x2000  }
0x4b: {  	[sflag:s14] =	ssyncset.done $0x0  }
0x4c: {  	[sflag:s14] =	ssyncadd.s32 $0xFFFFE000  }
0x4d: {  	[bflag:$0x0] =	sbarrier.arrive $0xFFFF  }
0x4e: {  	_ =	swait.ge [sflag:s22], $0x1400  }
0x4f: {  	[sflag:s22] =	ssyncset.done $0x0  }
0x50: {  	[sflag:s22] =	ssyncadd.s32 $0xFFFFEC00  }
0x51: {  	[spmem:s3] =	stream.indirect.scatter.add.bf16 [tilespmem:s17], [sflag:$0x6], $0x40, s10, s16, $0xb8;
	[tilespmem:$0x17220] =	vst v63  }
0x52: {  	s9 =	simm.s32 $0xF0  }
0x53: {  	[tilespmem:s24], [sflag:$0x4] =	stream.indirect.gather [hbm4b:s1+s16], $0x40, s9, s16, $0xb8;
	[tilespmem:$0x17220] =	vst v63  }
0x54: {  	_ =	swait.ge [sflag:s25], $0x1400  }
0x55: {  	[sflag:s25] =	ssyncset.done $0x0  }
0x56: {  	s10 =	simm.s32 $0x2760;
	[sflag:s25] =	ssyncadd.s32 $0xFFFFEC00  }
0x57: {  	[spmem:s3] =	stream.indirect.scatter.add.bf16 [tilespmem:s18], [sflag:$0x7], $0x40, s10, s16, $0xb8;
	[tilespmem:$0x17220] =	vst v63  }
0x58: {  	s11 =	simm.s32 $0x140  }
0x59: {  	[tilespmem:s29], [sflag:$0x5] =	stream.indirect.gather [hbm4b:s1+s16], $0x40, s11, s16, $0xb8;
	[tilespmem:$0x17220] =	vst v63  }
0x5a: {  	_ =	swait.ge [sflag:s30], $0x1400  }
0x5b: {  	[sflag:s30] =	ssyncset.done $0x0  }
0x5c: {  	s15 =	simm.s32 $0x27B0;
	[sflag:s30] =	ssyncadd.s32 $0xFFFFEC00  }
0x5d: {  	[spmem:s3] =	stream.indirect.scatter.add.bf16 [tilespmem:s20], [sflag:$0x8], $0x40, s15, s16, $0xb8;
	[tilespmem:$0x17220] =	vst v63  }
0x5e: {  	_ =	swait.ge [sflag:s2], $0x1400  }
0x5f: {  	[sflag:s2] =	ssyncset.done $0x0  }
0x60: {  	s8 =	simm.s32 $0x190;
	[sflag:s2] =	ssyncadd.s32 $0xFFFFEC00  }
0x61: {  	[tilespmem:s17], [sflag:$0x1] =	stream.indirect.gather [hbm4b:s1+s16], $0x40, s8, s16, $0xb8;
	[tilespmem:$0x17220] =	vst v63  }
0x62: {  	_ =	swait.ge [sflag:s19], $0x1400  }
0x63: {  	[sflag:s19] =	ssyncset.done $0x0  }
0x64: {  	s9 =	simm.s32 $0x2800;
	[sflag:s19] =	ssyncadd.s32 $0xFFFFEC00  }
0x65: {  	[spmem:s3] =	stream.indirect.scatter.add.bf16 [tilespmem:s24], [sflag:$0x9], $0x40, s9, s16, $0xb8;
	[tilespmem:$0x17220] =	vst v63  }
0x66: {  	_ =	swait.ge [sflag:s26], $0x1400  }
0x67: {  	[sflag:s26] =	ssyncset.done $0x0  }
0x68: {  	s10 =	simm.s32 $0x1E0;
	[sflag:s26] =	ssyncadd.s32 $0xFFFFEC00  }
0x69: {  	[tilespmem:s18], [sflag:$0x2] =	stream.indirect.gather [hbm4b:s1+s16], $0x40, s10, s16, $0xb8;
	[tilespmem:$0x17220] =	vst v63  }
0x6a: {  	_ =	swait.ge [sflag:s31], $0x1400  }
0x6b: {  	[sflag:s31] =	ssyncset.done $0x0  }
0x6c: {  	s11 =	simm.s32 $0x2850;
	[sflag:s31] =	ssyncadd.s32 $0xFFFFEC00  }
0x6d: {  	[spmem:s3] =	stream.indirect.scatter.add.bf16 [tilespmem:s29], [sflag:$0xA], $0x40, s11, s16, $0xb8;
	[tilespmem:$0x17220] =	vst v63  }
0x6e: {  	_ =	swait.ge [sflag:s23], $0x1400  }
0x6f: {  	[sflag:s23] =	ssyncset.done $0x0  }
0x70: {  	s6 =	simm.s32 $0x0;
	s15 =	simm.s32 $0x230;
	[sflag:s23] =	ssyncadd.s32 $0xFFFFEC00  }
0x71: {  	[tilespmem:s20], [sflag:$0x3] =	stream.indirect.gather [hbm4b:s1+s16], $0x40, s15, s16, $0xb8;
	[tilespmem:$0x17220] =	vst v63  }
.LBB2_4:
0x72: {  	_ =	swait.ge [sflag:s22], $0x1400  }
0x73: {  	s8 =	sshra.s32 s6, $0x2;
	[sflag:s22] =	ssyncset.done $0x0  }
0x74: {  	s9 =	sadd.s32 $0x28A0, s8;
	[sflag:s22] =	ssyncadd.s32 $0xFFFFEC00  }
0x75: {  	[spmem:s3] =	stream.indirect.scatter.add.bf16 [tilespmem:s17], [sflag:$0x6], $0x40, s9, s16, $0xb8;
	[tilespmem:$0x17220] =	vst v63  }
0x76: {  	_ =	swait.ge [sflag:s0], $0x1400  }
0x77: {  	[sflag:s0] =	ssyncset.done $0x0  }
0x78: {  	s11 =	sadd.s32 $0x280, s8;
	[sflag:s0] =	ssyncadd.s32 $0xFFFFEC00  }
0x79: {  	[tilespmem:s24], [sflag:$0x4] =	stream.indirect.gather [hbm4b:s1+s16], $0x40, s11, s16, $0xb8;
	[tilespmem:$0x17220] =	vst v63  }
0x7a: {  	_ =	swait.ge [sflag:s25], $0x1400  }
0x7b: {  	[sflag:s25] =	ssyncset.done $0x0  }
0x7c: {  	s15 =	sadd.s32 $0x28F0, s8;
	[sflag:s25] =	ssyncadd.s32 $0xFFFFEC00  }
0x7d: {  	[spmem:s3] =	stream.indirect.scatter.add.bf16 [tilespmem:s18], [sflag:$0x7], $0x40, s15, s16, $0xb8;
	[tilespmem:$0x17220] =	vst v63  }
0x7e: {  	_ =	swait.ge [sflag:s28], $0x1400  }
0x7f: {  	[sflag:s28] =	ssyncset.done $0x0  }
0x80: {  	s10 =	sadd.s32 $0x2D0, s8;
	[sflag:s28] =	ssyncadd.s32 $0xFFFFEC00  }
0x81: {  	[tilespmem:s29], [sflag:$0x5] =	stream.indirect.gather [hbm4b:s1+s16], $0x40, s10, s16, $0xb8;
	[tilespmem:$0x17220] =	vst v63  }
0x82: {  	_ =	swait.ge [sflag:s30], $0x1400  }
0x83: {  	[sflag:s30] =	ssyncset.done $0x0  }
0x84: {  	s11 =	sadd.s32 $0x2940, s8;
	[sflag:s30] =	ssyncadd.s32 $0xFFFFEC00  }
0x85: {  	[spmem:s3] =	stream.indirect.scatter.add.bf16 [tilespmem:s20], [sflag:$0x8], $0x40, s11, s16, $0xb8;
	[tilespmem:$0x17220] =	vst v63  }
0x86: {  	_ =	swait.ge [sflag:s2], $0x1400  }
0x87: {  	p0 =	seq.s32 s6, $0x8FC0;
	[sflag:s2] =	ssyncset.done $0x0  }
0x88: {  	s9 =	simm.s32 @p0 $0x4;
	[sflag:s2] =	ssyncadd.s32 $0xFFFFEC00  }
0x89: {  	_ =	swait.ge @p0 [sflag:s9], $0x1400  }
0x8a: {  	[sflag:s9] =	ssyncset.done @p0 $0x0  }
0x8b: {  	[sflag:s9] =	ssyncadd.s32 @p0 $0xFFFFEC00;
	s9 =	sshra.s32 @p0 s6, $0x2  }
0x8c: {  	s10 =	simm.s32 @p0 $0x50;
	s11 =	simm.s32 @p0 $0x8A20;
	s9 =	sadd.s32 @p0 $0x2990, s9  }
0x8d: {  	[spmem:s3] =	stream.indirect.scatter.add.bf16 @p0 [tilespmem:s11], [sflag:$0x9], $0x40, s9, s10, $0xb8;
	[tilespmem:$0x17220] =	vst v63  }
0x8e: {  	s9 =	simm.s32 @p0 $0x7  }
0x8f: {  	_ =	swait.ge @p0 [sflag:s9], $0x1400  }
0x90: {  	[sflag:s9] =	ssyncset.done @p0 $0x0  }
0x91: {  	[sflag:s9] =	ssyncadd.s32 @p0 $0xFFFFEC00;
	s9 =	sshra.s32 @!p0 s6, $0x2  }
0x92: {  	s15 =	simm.s32 @!p0 $0x4E20;
	s11 =	simm.s32 @!p0 $0x50;
	s10 =	sadd.s32 @!p0 $0x320, s9  }
0x93: {  	[tilespmem:s15], [sflag:$0x1] =	stream.indirect.gather @!p0 [hbm4b:s1+s11], $0x40, s10, s11, $0xb8;
	[tilespmem:$0x17220] =	vst v63  }
0x94: {  	s10 =	simm.s32 @!p0 $0x4  }
0x95: {  	_ =	swait.ge @!p0 [sflag:s10], $0x1400  }
0x96: {  	[sflag:s10] =	ssyncset.done @!p0 $0x0  }
0x97: {  	s15 =	simm.s32 @!p0 $0x8A20;
	[sflag:s10] =	ssyncadd.s32 @!p0 $0xFFFFEC00;
	s10 =	sadd.s32 @!p0 $0x2990, s9  }
0x98: {  	[spmem:s3] =	stream.indirect.scatter.add.bf16 @!p0 [tilespmem:s15], [sflag:$0x9], $0x40, s10, s11, $0xb8;
	[tilespmem:$0x17220] =	vst v63  }
0x99: {  	s10 =	simm.s32 @!p0 $0x7  }
0x9a: {  	_ =	swait.ge @!p0 [sflag:s10], $0x1400  }
0x9b: {  	[sflag:s10] =	ssyncset.done @!p0 $0x0  }
0x9c: {  	s9 =	sadd.s32 @!p0 $0x370, s9;
	[sflag:s10] =	ssyncadd.s32 @!p0 $0xFFFFEC00;
	s10 =	simm.s32 @!p0 $0x6220  }
0x9d: {  	[tilespmem:s10], [sflag:$0x2] =	stream.indirect.gather @!p0 [hbm4b:s1+s11], $0x40, s9, s11, $0xb8;
	[tilespmem:$0x17220] =	vst v63  }
0x9e: {  	_ =	swait.ge [sflag:s31], $0x1400  }
0x9f: {  	[sflag:s31] =	ssyncset.done $0x0  }
.Ltmp3:
0xa0: {  	s15 =	sadd.s32 $0x29E0, s8;
	[sflag:s31] =	ssyncadd.s32 $0xFFFFEC00;
	(pc) =	sbr.rel @p0 .LBB2_6-.Ltmp3, $4  }
0xa1: {  	[spmem:s3] =	stream.indirect.scatter.add.bf16 [tilespmem:s29], [sflag:$0xA], $0x40, s15, s16, $0xb8;
	[tilespmem:$0x17220] =	vst v63  }
0xa2: {  	_ =	swait.ge [sflag:s23], $0x1400  }
0xa3: {  	[sflag:s23] =	ssyncset.done $0x0  }
0xa4: {  	[sflag:s23] =	ssyncadd.s32 $0xFFFFEC00  }
.Ltmp4:
0xa5: {  	(pc) =	sbr.rel .LBB2_4-.Ltmp4, $3  }
0xa6: {  	_ =	sdelay $0x1  }
0xa7: {  	s8 =	sadd.s32 $0x3C0, s8;
	s6 =	sadd.s32 $0x640, s6  }
0xa8: {  	[tilespmem:s20], [sflag:$0x3] =	stream.indirect.gather [hbm4b:s1+s16], $0x40, s8, s16, $0xb8;
	[tilespmem:$0x17220] =	vst v63  }
.LBB2_7:
0xa9: {  	_ =	sfence.sel $0x180000  }
0xaa: {  	[bflag:$0x0] =	sbarrier.arrive $0xFFFF  }
0xab: {  	_ =	strace $0x9000004A  }
0xac: {  	s0 =	stileid.u32;
	[bflag:$0x2] =	sbarrier.arrive $0xFFFF  }
0xad: {  	p0 =	sne.s32 s0, $0x0;
	s0 =	rddreg [dreg:$0x3]  }
0xae: {  	s0 =	sadd.s32 @!p0 $0x100000, s0  }
0xaf: {  	[sflag:s0] =	ssyncadd.tile.s32 @!p0 $0x1;
	_ =	shalt  }
.Lfunc_end2:
_tile_overlayer_lowered:
.L_overlay_start_2:
0xb0: {  	(tag) =	ssettag $0x2  }
0xb1: {  	s0 =	rddreg [dreg:$0x0];
	s2 =	stileid.u32  }
0xb2: {  	s1 =	rddreg [dreg:$0x1];
	p0 =	sne.s32 s2, $0x0  }
0xb3: {  	s3 =	rddreg [dreg:$0x2];
	[bflag:$0x3] =	sbarrier.arrive $0xFFFF;
	s2 =	simm.s32 @!p0 $0x1C0B  }
0xb4: {  	[timem:s3], [sflag:s2] =	dma.local @!p0 [hbm:s0], s1  }
0xb5: {  	s0 =	simm.s32 @!p0 $0xB  }
0xb6: {  	_ =	swait.ge @!p0 [sflag:s0], s1  }
0xb7: {  	s1 =	ssub.s32 @!p0 $0x0, s1;
	[sflag:s0] =	ssyncset.done @!p0 $0x0  }
0xb8: {  	[sflag:s0] =	ssyncadd.s32 @!p0 s1  }
0xb9: {  	[bflag:$0x3] =	sbarrier.arrive $0xFFFF  }
0xba: {  	_ =	shalt  }

// kernel: sage_sc_agg_deg.3.cloned.1.call-start
scs
__scs_entry_jumppad:
0x0: {  	(pc) =	sbr.rel $0x88, $3  }
0x1: {  	(tag) =	ssettag $0x0;
	lr =	simm.s32 $0x1  }
0x2: {  	[smem:$0x3F99] =	sst lr;
	_ =	strace $0xD0000000  }
0x3: {  	_ = 	snop  }
0x4: {  	_ = 	snop  }
0x5: {  	_ = 	snop  }
0x6: {  	_ = 	snop  }
0x7: {  	_ = 	snop  }
__scs_overlays_trampoline_lowered:
0x8: {  	[smem:$0x3FA8] =	sst s0  }
0x9: {  	[smem:$0x3FA9] =	sst s1  }
0xa: {  	[smem:$0x3FAA] =	sst s2  }
0xb: {  	[smem:$0x3FAB] =	sst s3  }
0xc: {  	[smem:$0x3FAC] =	sst s4  }
0xd: {  	[smem:$0x3FAD] =	sst s5  }
0xe: {  	[smem:$0x3FAE] =	sst s6  }
0xf: {  	[smem:$0x3FAF] =	sst s7  }
0x10: {  	[smem:$0x3FB0] =	sst s8  }
0x11: {  	[smem:$0x3FB1] =	sst s9;
	s0 =	simm.s32 @!p0 $0x0  }
0x12: {  	s1 =	sld [smem:$0x3F97];
	s0 =	simm.s32 @p0 $0x1  }
0x13: {  	[smem:$0x3FB2] =	sst s0;
	s0 =	simm.s32 @!p1 $0x0  }
0x14: {  	s2 =	sld [smem:$0x3F96];
	s0 =	simm.s32 @p1 $0x1  }
0x15: {  	[smem:$0x3FB3] =	sst s0;
	s0 =	simm.s32 @!p2 $0x0  }
0x16: {  	s3 =	sld [smem:$0x3FDB];
	s0 =	simm.s32 @p2 $0x1  }
0x17: {  	s4 =	simm.s32 $0x1BF5;
	[smem:$0x3FB5] =	sst s0  }
0x18: {  	s0 =	sld [smem:$0x3F98];
	_ =	swait.ge [sflag:s4], $0x0  }
0x19: {  	s7 =	sld [smem:$0x3F99]  }
0x1a: {  	s8 =	sadd.s32 $0xFFFFE003, lr  }
0x1b: {  	s9 =	sadd.s32 $0xFFFFFEF7, lr;
	s5 =	simm.s32 $0xFFFFFFFF;
	p2 =	slt.u32 s8, $0xFFFFF086  }
0x1c: {  	p1 =	slt.u32 s9, $0xF7A;
	s5 =	simm.s32 @!p2 $0x0  }
0x1d: {  	s5 =	simm.s32 @p1 $0x1;
	p0 =	seq.s32 s7, s2  }
0x1e: {  	s7 =	smul.u32 @!p0 $0xF7A, s2;
	p2 =	seq.s32 @!p0 s5, $0x0  }
0x1f: {  	s9 =	smul.u32 $0xF7A, s1;
	s8 =	simm.s32 @!p0 $0x1BF5;
	p2 =	por !p2, p0  }
0x20: {  	[sflag:s8] =	ssyncset.s32 @!p0 $0xFFFFF086;
	s6 =	sadd.s32 @!p0 s3, s7;
	s7 =	simm.s32 @!p0 $0x108  }
0x21: {  	s3 =	sadd.s32 s3, s9;
	s6 =	sadd.s32 @!p0 $0x88, s6;
	s7 =	simm.s32 @p2 $0x1082  }
0x22: {  	[simem:s7], [sflag:s8] =	dma.local @!p0 [hbm:s6], $0xF7A  }
0x23: {  	s9 =	sor.u32 $0xD0000000, s2;
	s6 =	simm.s32 $0x108;
	_ =	swait.ge @!p0 [sflag:s8], $0x0  }
0x24: {  	s3 =	sadd.s32 $0x88, s3;
	s6 =	simm.s32 @!p1 $0x1082;
	[sflag:s4] =	ssyncset.s32 $0xFFFFF086  }
0x25: {  	[simem:s6], [sflag:s4] =	dma.local [hbm:s3], $0xF7A  }
0x26: {  	[smem:$0x3F99] =	sst s1;
	(tag) =	ssettag s2;
	_ =	strace s9  }
0x27: {  	s1 =	sld [smem:$0x3FA9]  }
0x28: {  	s2 =	sld [smem:$0x3FAA]  }
0x29: {  	s4 =	sld [smem:$0x3FAC]  }
0x2a: {  	p0 =	seq.s32 s5, $0x0;
	s5 =	sld [smem:$0x3FAD]  }
0x2b: {  	s6 =	sld [smem:$0x3FAE]  }
0x2c: {  	s7 =	sld [smem:$0x3FAF]  }
0x2d: {  	s3 =	simm.s32 $0x108;
	s8 =	sld [smem:$0x3FB0]  }
0x2e: {  	s3 =	simm.s32 @!p0 $0x1082;
	s9 =	sld [smem:$0x3FB1]  }
0x2f: {  	lr =	sadd.s32 s0, s3;
	s0 =	sld [smem:$0x3FA8]  }
0x30: {  	s3 =	sld [smem:$0x3FAB]  }
0x31: {  	[smem:$0x3FB4] =	sst s10  }
0x32: {  	s10 =	sld [smem:$0x3FB2];
	_ =	sdelay $0x3  }
0x33: {  	p0 =	seq.s32 s10, $0x1;
	s10 =	sld [smem:$0x3FB4];
	_ =	sdelay $0x3  }
0x34: {  	[smem:$0x3FB4] =	sst s10  }
0x35: {  	s10 =	sld [smem:$0x3FB3];
	_ =	sdelay $0x3  }
0x36: {  	p1 =	seq.s32 s10, $0x1;
	s10 =	sld [smem:$0x3FB4];
	_ =	sdelay $0x3  }
0x37: {  	[smem:$0x3FB4] =	sst s10  }
0x38: {  	s10 =	sld [smem:$0x3FB5]  }
0x39: {  	_ = 	snop;
	(pc) =	sbr.ind lr, $3  }
0x3a: {  	_ = 	snop  }
0x3b: {  	_ = 	snop  }
0x3c: {  	p2 =	seq.s32 s10, $0x1;
	s10 =	sld [smem:$0x3FB4]  }
0x3d: {  	_ =	shalt  }
0x3e: {  	_ =	shalt  }
0x3f: {  	_ =	shalt  }
0x40: {  	_ =	shalt  }
0x41: {  	_ =	shalt  }
0x42: {  	_ =	shalt  }
0x43: {  	_ =	shalt  }
0x44: {  	_ =	shalt  }
0x45: {  	_ =	shalt  }
0x46: {  	_ =	shalt  }
0x47: {  	_ =	shalt  }
0x48: {  	_ =	shalt  }
0x49: {  	_ =	shalt  }
0x4a: {  	_ =	shalt  }
0x4b: {  	_ =	shalt  }
0x4c: {  	_ =	shalt  }
0x4d: {  	_ =	shalt  }
0x4e: {  	_ =	shalt  }
0x4f: {  	_ =	shalt  }
0x50: {  	_ =	shalt  }
0x51: {  	_ =	shalt  }
0x52: {  	_ =	shalt  }
0x53: {  	_ =	shalt  }
0x54: {  	_ =	shalt  }
0x55: {  	_ =	shalt  }
0x56: {  	_ =	shalt  }
0x57: {  	_ =	shalt  }
0x58: {  	_ =	shalt  }
0x59: {  	_ =	shalt  }
0x5a: {  	_ =	shalt  }
0x5b: {  	_ =	shalt  }
0x5c: {  	_ =	shalt  }
0x5d: {  	_ =	shalt  }
0x5e: {  	_ =	shalt  }
0x5f: {  	_ =	shalt  }
0x60: {  	_ =	shalt  }
0x61: {  	_ =	shalt  }
0x62: {  	_ =	shalt  }
0x63: {  	_ =	shalt  }
0x64: {  	_ =	shalt  }
0x65: {  	_ =	shalt  }
0x66: {  	_ =	shalt  }
0x67: {  	_ =	shalt  }
0x68: {  	_ =	shalt  }
0x69: {  	_ =	shalt  }
0x6a: {  	_ =	shalt  }
0x6b: {  	_ =	shalt  }
0x6c: {  	_ =	shalt  }
0x6d: {  	_ =	shalt  }
0x6e: {  	_ =	shalt  }
0x6f: {  	_ =	shalt  }
0x70: {  	_ =	shalt  }
0x71: {  	_ =	shalt  }
0x72: {  	_ =	shalt  }
0x73: {  	_ =	shalt  }
0x74: {  	_ =	shalt  }
0x75: {  	_ =	shalt  }
0x76: {  	_ =	shalt  }
0x77: {  	_ =	shalt  }
0x78: {  	_ =	shalt  }
0x79: {  	_ =	shalt  }
0x7a: {  	_ =	shalt  }
0x7b: {  	_ =	shalt  }
0x7c: {  	_ =	shalt  }
0x7d: {  	_ =	shalt  }
0x7e: {  	_ =	shalt  }
0x7f: {  	_ =	shalt  }
0x80: {  	_ =	shalt  }
0x81: {  	_ =	shalt  }
0x82: {  	_ =	shalt  }
0x83: {  	_ =	shalt  }
0x84: {  	_ =	shalt  }
0x85: {  	_ =	shalt  }
0x86: {  	_ =	shalt  }
0x87: {  	_ =	shalt  }
.Lfunc_end0:
.L_simem_size_0:
called_computation_lowered:
.L_overlay_start_0:
0x88: {  	s2 =	sld [smem:$0x3FD9]  }
0x89: {  	s3 =	sld [smem:$0x3FFE];
	_ =	sdelay $0x1  }
0x8a: {  	s1 =	srdreg.scid  }
0x8b: {  	s0 =	sand.u32 $0x1, s1  }
0x8c: {  	s17 =	sshll.u32 s0, $0xA;
	s2 =	sadd.s32 s3, s2  }
0x8d: {  	s2 =	sadd.s32 s2, s17  }
0x8e: {  	[smem:$0x3FC0] =	sst s2  }
0x8f: {  	_ = 	snop  }
0x90: {  	s2 =	sld [smem:$0x3FD0];
	(tm) =	ssettm $0x1  }
0x91: {  	s18 =	sld [smem:$0x3FFB];
	_ =	sdelay $0x3  }
0x92: {  	_ =	strace s18  }
0x93: {  	s3 =	sld [smem:$0x3FFC];
	_ =	sdelay $0x3  }
0x94: {  	_ =	strace s3  }
0x95: {  	s3 =	sld [smem:$0x3FFD];
	_ =	sdelay $0x3  }
0x96: {  	_ =	strace s3  }
0x97: {  	_ =	strace $0x8FFFFFFF  }
0x98: {  	s19 =	sld [smem:$0x3FDB];
	_ =	sdelay $0x1  }
0x99: {  	s4 =	simm.s32 $_scs_section_size  }
0x9a: {  	s5 =	simm.s32 $_size__tile_overlayer_lowered;
	s6 =	simm.s32 $_tile_overlayer_lowered  }
0x9b: {  	s22 =	simm.s32 $0x1BFF;
	s21 =	sshll.u32 s6, $0x1;
	s3 =	sadd.s32 s4, s19  }
0x9c: {  	s7 =	simm.s32 $0x0;
	s20 =	sshll.u32 s5, $0x1;
	s5 =	sadd.s32 s21, s3  }
0x9d: {  	[timem:s7], [sflag:s22] =	dma.local [hbm:s5], s20  }
0x9e: {  	_ =	swait.ge [sflag:s22], s20  }
0x9f: {  	s4 =	ssub.s32 $0x0, s20;
	[sflag:s22] =	ssyncset.done $0x0  }
0xa0: {  	[sflag:s22] =	ssyncadd.s32 s4;
	_ =	sdelay $0x1  }
0xa1: {  	s23 =	simm.s32 $0x1B8B  }
0xa2: {  	_ =	swait.ge [sflag:s23], $0x1  }
0xa3: {  	[sflag:s23] =	ssyncset.done $0x0  }
0xa4: {  	s25 =	simm.s32 $0x1B8E;
	s24 =	sld [smem:$0x3FFE];
	[sflag:s23] =	ssyncadd.s32 $0xFFFFFFFF  }
0xa5: {  	s26 =	simm.s32 $execute0_lowered;
	[smem:$0x3FD2] =	sst s25  }
0xa6: {  	s5 =	sshll.u32 s26, $0x1;
	_ =	strace $0x80000046;
	[dreg:$0x1] =	wrdreg $0xFFFFFFFF  }
0xa7: {  	s28 =	simm.s32 $_size_execute0_lowered;
	s3 =	sadd.s32 s3, s5;
	[dreg:$0x0] =	wrdreg $0x0  }
0xa8: {  	s5 =	sshll.u32 s28, $0x1;
	[dreg:$0x2] =	wrdreg s3  }
0xa9: {  	[dreg:$0x3] =	wrdreg s5  }
0xaa: {  	[dreg:$0x4] =	wrdreg $0xC0  }
0xab: {  	_ =	task [dreg:s7], $0x5FFFF  }
0xac: {  	[dreg:$0x1] =	wrdreg $0xFFFFFFFF  }
0xad: {  	[dreg:$0x0] =	wrdreg $0x60  }
0xae: {  	[dreg:$0x2] =	wrdreg s2  }
0xaf: {  	[dreg:$0x3] =	wrdreg s24  }
0xb0: {  	[dreg:$0x4] =	wrdreg $0xDF200  }
0xb1: {  	[dreg:$0x5] =	wrdreg $0x17F200  }
0xb2: {  	[dreg:$0x6] =	wrdreg $0x9  }
0xb3: {  	_ =	task.clear_ibuf [dreg:s7], $0x7FFFF;
	_ =	strace $0x90000046  }
0xb4: {  	s29 =	simm.s32 $0x9;
	_ =	strace $0x80000048  }
0xb5: {  	_ =	swait.ge [sflag:s29], $0x1  }
0xb6: {  	[sflag:s29] =	ssyncadd.s32 $0xFFFFFFFF  }
0xb7: {  	_ =	strace $0x90000048  }
0xb8: {  	_ =	sfence  }
0xb9: {  	s30 =	sld [smem:$0x0];
	_ =	sdelay $0x2  }
0xba: {  	s31 =	sshll.u32 s1, $0xD;
	s1 =	sshrl.u32 s1, $0x2  }
0xbb: {  	s3 =	sand.u32 $0x4000, s31;
	s1 =	sadd.s32 s1, s30  }
0xbc: {  	s0 =	sor.u32 s3, s0;
	s1 =	sshll.u32 s1, $0x11  }
0xbd: {  	s0 =	sor.u32 s1, s0  }
0xbe: {  	s0 =	sadd.s32 $0x8F2B, s0  }
0xbf: {  	[sflag:s0] =	ssyncadd.remote.s32 $0x1  }
0xc0: {  	_ =	sfence.sel $0xFFFF  }
0xc1: {  	[dreg:$0x0] =	wrdreg $0xFFFFFFFF;
	(pc) =	sbr.abs _section_cstart, $3  }
0xc2: {  	[dreg:$0x1] =	wrdreg $0xFFFFFFFF  }
0xc3: {  	_ =	task.clear_ibuf [dreg:s7], $0x2FFFF;
	_ =	strace $0x9FFFFFFF  }
0xc4: {  	(tm) =	ssettm $0x7FFFFFFF  }
0xc5: {  	_ =	shalt  }
tec
execute0_lowered:
.L_overlay_start_1:
0x0: {  	(tag) =	ssettag $0x1  }
0x1: {  	s1 =	rddreg [dreg:$0x0]  }
0x2: {  	s6 =	rddreg [dreg:$0x1]  }
0x3: {  	s0 =	srdreg.scid;
	s3 =	rddreg [dreg:$0x2]  }
0x4: {  	s5 =	stileid.u32;
	s4 =	rddreg [dreg:$0x3];
	s9 =	simm.s32 $0x0  }
0x5: {  	s28 =	simm.s32 $0x7620;
	s29 =	simm.s32 $0xB220;
	s7 =	smul.u32 $0x14000, s5  }
0x6: {  	s30 =	simm.s32 $0xD720;
	s31 =	simm.s32 $0x1;
	s24 =	smul.u32 $0x2800, s5  }
0x7: {  	s0 =	sand.u32 $0x1, s0;
	[smem:$0x7FF] =	sst s9;
	s12 =	smul.u32 $0x280, s5  }
0x8: {  	s9 =	simm.s32 $0x3;
	s2 =	sshll.u32 s0, $0x4;
	s8 =	smul.u32 $0x140000, s0  }
0x9: {  	s10 =	smul.u32 $0x28000, s0;
	_ =	strace $0x80000047;
	s0 =	ssub.s32 $0x2, s0  }
0xa: {  	s2 =	sor.u32 s5, s2;
	s26 =	sshrl.u32 s0, $0x1;
	s13 =	sadd.s32 $0x80, s12  }
0xb: {  	s15 =	sadd.s32 $0x100, s12;
	s2 =	smul.u32 $0x2710, s2;
	s8 =	sadd.s32 s7, s8  }
0xc: {  	s25 =	sadd.s32 s24, s10;
	s0 =	ssub.s32 s0, s26;
	s10 =	sshrl.u32 s7, $0x1  }
0xd: {  	s14 =	sshll.u32 s13, $0x6;
	s16 =	sshll.u32 s15, $0x6;
	s7 =	sshll.u32 s13, $0x4  }
0xe: {  	s13 =	sadd.s32 s24, s4;
	s20 =	sshll.u32 s15, $0x4;
	s15 =	simm.s32 $0x2710  }
0xf: {  	s8 =	sshrl.u32 s8, $0x4;
	s19 =	sadd.s32 s7, s4;
	s0 =	smax.u32 s0, $0x1  }
0x10: {  	s7 =	simm.s32 $0x9E20;
	s2 =	sshrl.u32 s2, $0x3;
	[dreg:$0xb] =	wrdreg s19  }
0x11: {  	s11 =	sadd.s32 s8, s6;
	s8 =	sshrl.u32 s25, $0x3;
	[dreg:$0x11] =	wrdreg s0  }
0x12: {  	s0 =	simm.s32 $0x2;
	s19 =	simm.s32 $0x9;
	s2 =	sadd.s32 s2, s6  }
0x13: {  	s6 =	sadd.s32 s8, s6;
	s25 =	sadd.s32 $0x16400, s11;
	s11 =	simm.s32 $0x6  }
0x14: {  	s8 =	sadd.s32 $0x2A00, s2;
	s2 =	sadd.s32 $0xC640, s2;
	[dreg:$0xf] =	wrdreg s25  }
0x15: {  	s26 =	sadd.s32 $0x3E400, s6;
	s25 =	simm.s32 $0x6220;
	[dreg:$0x5] =	wrdreg s8  }
0x16: {  	s6 =	simm.s32 $0xB;
	[dreg:$0x6] =	wrdreg s2;
	s8 =	sadd.s32 s10, s3  }
0x17: {  	s2 =	sadd.s32 s14, s3;
	s14 =	sadd.s32 $0x180, s12;
	s12 =	sadd.s32 $0x200, s12  }
0x18: {  	[dreg:$0x10] =	wrdreg s26;
	s26 =	simm.s32 $0x8A20;
	s10 =	simm.s32 $0x0  }
0x19: {  	[dreg:$0x7] =	wrdreg s2;
	s2 =	sadd.s32 s16, s3;
	s17 =	sshll.u32 s14, $0x6  }
0x1a: {  	s18 =	sshll.u32 s12, $0x6;
	s21 =	sshll.u32 s14, $0x4;
	s22 =	sshll.u32 s12, $0x4  }
0x1b: {  	s16 =	simm.s32 $0x5;
	[dreg:$0x8] =	wrdreg s2;
	s2 =	sadd.s32 s17, s3  }
0x1c: {  	s23 =	sadd.s32 s21, s4;
	s24 =	sadd.s32 s22, s4;
	[dreg:$0x9] =	wrdreg s2  }
0x1d: {  	s21 =	simm.s32 $0xC;
	s2 =	sadd.s32 s18, s3;
	[dreg:$0xd] =	wrdreg s23  }
0x1e: {  	[dreg:$0xe] =	wrdreg s24;
	s23 =	simm.s32 $0x50;
	s24 =	simm.s32 $0x4E20  }
0x1f: {  	s18 =	simm.s32 $0x8;
	[dreg:$0xa] =	wrdreg s2;
	s2 =	sadd.s32 s20, s4  }
0x20: {  	v0 =	vimm.bf16 $0.0e+00;
	v1 =	vimm.f32 $0.0e+00;
	v2 =	vimm.f32 $1.000000000e+00;
	s20 =	simm.s32 $0xA;
	[dreg:$0xc] =	wrdreg s2;
	s2 =	simm.s32 $0xD220  }
.LBB2_1:
0x21: {  	s5 =	simm.s32 $0x0;
	s12 =	rddreg [dreg:$0x5]  }
0x22: {  	[tilespmem:s5], [sflag:$0xC] =	stream.linear.gather [hbm4b:s12+s5], $0x2710, $0x38;
	[tilespmem:$0x1A720] =	vst v63  }
0x23: {  	_ =	swait.ge [sflag:s21], $0x2710  }
0x24: {  	[sflag:s21] =	ssyncset.done $0x0  }
0x25: {  	s17 =	rddreg [dreg:$0x6];
	[sflag:s21] =	ssyncadd.s32 $0xFFFFD8F0  }
0x26: {  	[tilespmem:s15], [sflag:$0xC] =	stream.linear.gather [hbm4b:s17+s5], $0x2710, $0x38;
	[tilespmem:$0x1A720] =	vst v63  }
0x27: {  	_ =	swait.ge [sflag:s21], $0x2710  }
0x28: {  	[sflag:s21] =	ssyncset.done $0x0  }
0x29: {  	[sflag:s21] =	ssyncadd.s32 $0xFFFFD8F0  }
0x2a: {  	[tilespmem:s24], [sflag:$0x1] =	stream.indirect.gather [hbm4b:s1+s23], $0x40, s5, s23, $0xb8;
	[tilespmem:$0x1A720] =	vst v63  }
0x2b: {  	_ = 	snop  }
0x2c: {  	[tilespmem:s25], [sflag:$0x2] =	stream.indirect.gather [hbm4b:s1+s23], $0x40, s23, s23, $0xb8;
	[tilespmem:$0x1A720] =	vst v63  }
0x2d: {  	s22 =	simm.s32 $0xA0;
	s14 =	simm.s32 $0x0;
	s17 =	simm.s32 $0x100  }
0x2e: {  	[tilespmem:s28], [sflag:$0x3] =	stream.indirect.gather [hbm4b:s1+s23], $0x40, s22, s23, $0xb8;
	[tilespmem:$0x1A720] =	vst v63  }
.LBB2_2:
0x2f: {  	p0 =	sne.s32 s17, $0x7F00;
	[tilespmem:s14+$0xB250] =	vst v0;
	s5 =	smov.u32 s17;
	s17 =	sadd.s32 $0x100, s17  }
.Ltmp0:
0x30: {  	[tilespmem:s14+$0xB240] =	vst v0;
	(pc) =	sbr.rel @p0 .LBB2_2-.Ltmp0, $3  }
0x31: {  	[tilespmem:s14+$0xB220] =	vst v0  }
0x32: {  	[tilespmem:s14+$0xB230] =	vst v0;
	_ =	sdelay $0x1  }
0x33: {  	s14 =	sshra.s32 s5, $0x2  }
0x34: {  	[tilespmem:s14+$0xB250] =	vst v0  }
0x35: {  	[tilespmem:s14+$0xB240] =	vst v0  }
0x36: {  	[tilespmem:s14+$0xB220] =	vst v0  }
0x37: {  	[tilespmem:s14+$0xB230] =	vst v0  }
0x38: {  	[spmem:s8] =	stream.linear.scatter [tilespmem:s29], [sflag:$0xC], $0x2000, $0x38;
	[tilespmem:$0x1A720] =	vst v63  }
0x39: {  	_ =	swait.ge [sflag:s21], $0x2000  }
0x3a: {  	[sflag:s21] =	ssyncset.done $0x0  }
0x3b: {  	s5 =	rddreg [dreg:$0x7];
	[sflag:s21] =	ssyncadd.s32 $0xFFFFE000  }
0x3c: {  	[spmem:s5] =	stream.linear.scatter [tilespmem:s29], [sflag:$0xC], $0x2000, $0x38;
	[tilespmem:$0x1A720] =	vst v63  }
0x3d: {  	_ =	swait.ge [sflag:s21], $0x2000  }
0x3e: {  	[sflag:s21] =	ssyncset.done $0x0  }
0x3f: {  	s14 =	rddreg [dreg:$0x8];
	[sflag:s21] =	ssyncadd.s32 $0xFFFFE000  }
0x40: {  	[spmem:s14] =	stream.linear.scatter [tilespmem:s29], [sflag:$0xC], $0x2000, $0x38;
	[tilespmem:$0x1A720] =	vst v63  }
0x41: {  	_ =	swait.ge [sflag:s21], $0x2000  }
0x42: {  	[sflag:s21] =	ssyncset.done $0x0  }
0x43: {  	s17 =	rddreg [dreg:$0x9];
	[sflag:s21] =	ssyncadd.s32 $0xFFFFE000  }
0x44: {  	[spmem:s17] =	stream.linear.scatter [tilespmem:s29], [sflag:$0xC], $0x2000, $0x38;
	[tilespmem:$0x1A720] =	vst v63  }
0x45: {  	_ =	swait.ge [sflag:s21], $0x2000  }
0x46: {  	[sflag:s21] =	ssyncset.done $0x0  }
0x47: {  	s22 =	rddreg [dreg:$0xa];
	[sflag:s21] =	ssyncadd.s32 $0xFFFFE000  }
0x48: {  	[spmem:s22] =	stream.linear.scatter [tilespmem:s29], [sflag:$0xC], $0x2000, $0x38;
	[tilespmem:$0x1A720] =	vst v63  }
0x49: {  	_ =	swait.ge [sflag:s21], $0x2000  }
0x4a: {  	[sflag:s21] =	ssyncset.done $0x0  }
0x4b: {  	s14 =	simm.s32 $0x40;
	s17 =	simm.s32 $0x0;
	[sflag:s21] =	ssyncadd.s32 $0xFFFFE000  }
.LBB2_4:
0x4c: {  	p0 =	sne.s32 s14, $0x1FC0;
	[tilespmem:s17+$0xD720] =	vst v1;
	s5 =	smov.u32 s14;
	s14 =	sadd.s32 $0x40, s14  }
.Ltmp1:
0x4d: {  	(pc) =	sbr.rel @p0 .LBB2_4-.Ltmp1, $2  }
0x4e: {  	_ =	sdelay $0x2  }
0x4f: {  	s17 =	sshra.s32 s5, $0x2  }
0x50: {  	[tilespmem:s17+$0xD720] =	vst v1  }
0x51: {  	[spmem:s13] =	stream.linear.scatter [tilespmem:s30], [sflag:$0xC], $0x800, $0x38;
	[tilespmem:$0x1A720] =	vst v63  }
0x52: {  	_ =	swait.ge [sflag:s21], $0x800  }
0x53: {  	[sflag:s21] =	ssyncset.done $0x0  }
0x54: {  	s5 =	rddreg [dreg:$0xb];
	[sflag:s21] =	ssyncadd.s32 $0xFFFFF800  }
0x55: {  	[spmem:s5] =	stream.linear.scatter [tilespmem:s30], [sflag:$0xC], $0x800, $0x38;
	[tilespmem:$0x1A720] =	vst v63  }
0x56: {  	_ =	swait.ge [sflag:s21], $0x800  }
0x57: {  	[sflag:s21] =	ssyncset.done $0x0  }
0x58: {  	s14 =	rddreg [dreg:$0xc];
	[sflag:s21] =	ssyncadd.s32 $0xFFFFF800  }
0x59: {  	[spmem:s14] =	stream.linear.scatter [tilespmem:s30], [sflag:$0xC], $0x800, $0x38;
	[tilespmem:$0x1A720] =	vst v63  }
0x5a: {  	_ =	swait.ge [sflag:s21], $0x800  }
0x5b: {  	[sflag:s21] =	ssyncset.done $0x0  }
0x5c: {  	s17 =	rddreg [dreg:$0xd];
	[sflag:s21] =	ssyncadd.s32 $0xFFFFF800  }
0x5d: {  	[spmem:s17] =	stream.linear.scatter [tilespmem:s30], [sflag:$0xC], $0x800, $0x38;
	[tilespmem:$0x1A720] =	vst v63  }
0x5e: {  	_ =	swait.ge [sflag:s21], $0x800  }
0x5f: {  	[sflag:s21] =	ssyncset.done $0x0  }
0x60: {  	s22 =	rddreg [dreg:$0xe];
	[sflag:s21] =	ssyncadd.s32 $0xFFFFF800  }
0x61: {  	[spmem:s22] =	stream.linear.scatter [tilespmem:s30], [sflag:$0xC], $0x800, $0x38;
	[tilespmem:$0x1A720] =	vst v63  }
0x62: {  	_ =	swait.ge [sflag:s21], $0x800  }
0x63: {  	[sflag:s21] =	ssyncset.done $0x0  }
0x64: {  	s14 =	simm.s32 $0x40;
	s17 =	simm.s32 $0x0;
	[sflag:s21] =	ssyncadd.s32 $0xFFFFF800  }
.LBB2_6:
0x65: {  	p0 =	sne.s32 s14, $0x13C0;
	[tilespmem:s17+$0xD220] =	vst v2;
	s5 =	smov.u32 s14;
	s14 =	sadd.s32 $0x40, s14  }
.Ltmp2:
0x66: {  	(pc) =	sbr.rel @p0 .LBB2_6-.Ltmp2, $2  }
0x67: {  	_ =	sdelay $0x2  }
0x68: {  	s17 =	sshra.s32 s5, $0x2  }
0x69: {  	[tilespmem:s17+$0xD220] =	vst v2  }
0x6a: {  	[bflag:$0x0] =	sbarrier.arrive $0xFFFF  }
0x6b: {  	_ =	swait.ge [sflag:s31], $0x1400  }
0x6c: {  	[sflag:s31] =	ssyncset.done $0x0  }
0x6d: {  	[sflag:s31] =	ssyncadd.s32 $0xFFFFEC00  }
0x6e: {  	[spmem:s3] =	stream.indirect.scatter.add.bf16 [tilespmem:s24], [sflag:$0x6], $0x40, s15, s23, $0xb8;
	[tilespmem:$0x1A720] =	vst v63  }
0x6f: {  	_ = 	snop  }
0x70: {  	[spmem:s4] =	stream.indirect.scatter.add.f32 [tilespmem:s2], [sflag:$0xB], $0x10, s15, s23, $0xb8;
	[tilespmem:$0x1A720] =	vst v63  }
0x71: {  	s5 =	simm.s32 $0xF0  }
0x72: {  	[tilespmem:s26], [sflag:$0x4] =	stream.indirect.gather [hbm4b:s1+s23], $0x40, s5, s23, $0xb8;
	[tilespmem:$0x1A720] =	vst v63  }
0x73: {  	_ =	swait.ge [sflag:s0], $0x1400  }
0x74: {  	[sflag:s0] =	ssyncset.done $0x0  }
0x75: {  	s12 =	simm.s32 $0x2760;
	[sflag:s0] =	ssyncadd.s32 $0xFFFFEC00  }
0x76: {  	[spmem:s3] =	stream.indirect.scatter.add.bf16 [tilespmem:s25], [sflag:$0x7], $0x40, s12, s23, $0xb8;
	[tilespmem:$0x1A720] =	vst v63  }
0x77: {  	_ = 	snop  }
0x78: {  	[spmem:s4] =	stream.indirect.scatter.add.f32 [tilespmem:s2], [sflag:$0xB], $0x10, s12, s23, $0xb8;
	[tilespmem:$0x1A720] =	vst v63  }
0x79: {  	s14 =	simm.s32 $0x140  }
0x7a: {  	[tilespmem:s7], [sflag:$0x5] =	stream.indirect.gather [hbm4b:s1+s23], $0x40, s14, s23, $0xb8;
	[tilespmem:$0x1A720] =	vst v63  }
0x7b: {  	_ =	swait.ge [sflag:s9], $0x1400  }
0x7c: {  	[sflag:s9] =	ssyncset.done $0x0  }
0x7d: {  	s15 =	simm.s32 $0x27B0;
	[sflag:s9] =	ssyncadd.s32 $0xFFFFEC00  }
0x7e: {  	[spmem:s3] =	stream.indirect.scatter.add.bf16 [tilespmem:s28], [sflag:$0x8], $0x40, s15, s23, $0xb8;
	[tilespmem:$0x1A720] =	vst v63  }
0x7f: {  	_ = 	snop  }
0x80: {  	[spmem:s4] =	stream.indirect.scatter.add.f32 [tilespmem:s2], [sflag:$0xB], $0x10, s15, s23, $0xb8;
	[tilespmem:$0x1A720] =	vst v63  }
0x81: {  	_ =	swait.ge [sflag:s11], $0x1400  }
0x82: {  	[sflag:s11] =	ssyncset.done $0x0  }
0x83: {  	s17 =	simm.s32 $0x190;
	s22 =	simm.s32 $0x4;
	[sflag:s11] =	ssyncadd.s32 $0xFFFFEC00  }
0x84: {  	[tilespmem:s24], [sflag:$0x1] =	stream.indirect.gather [hbm4b:s1+s23], $0x40, s17, s23, $0xb8;
	[tilespmem:$0x1A720] =	vst v63  }
0x85: {  	_ =	swait.ge [sflag:s22], $0x1400  }
0x86: {  	[sflag:s22] =	ssyncset.done $0x0  }
0x87: {  	s12 =	simm.s32 $0x2800;
	[sflag:s22] =	ssyncadd.s32 $0xFFFFEC00  }
0x88: {  	[spmem:s3] =	stream.indirect.scatter.add.bf16 [tilespmem:s26], [sflag:$0x9], $0x40, s12, s23, $0xb8;
	[tilespmem:$0x1A720] =	vst v63  }
0x89: {  	s14 =	simm.s32 $0x7  }
0x8a: {  	[spmem:s4] =	stream.indirect.scatter.add.f32 [tilespmem:s2], [sflag:$0xB], $0x10, s12, s23, $0xb8;
	[tilespmem:$0x1A720] =	vst v63  }
0x8b: {  	_ =	swait.ge [sflag:s14], $0x1400  }
0x8c: {  	[sflag:s14] =	ssyncset.done $0x0  }
0x8d: {  	s15 =	simm.s32 $0x1E0;
	[sflag:s14] =	ssyncadd.s32 $0xFFFFEC00  }
0x8e: {  	[tilespmem:s25], [sflag:$0x2] =	stream.indirect.gather [hbm4b:s1+s23], $0x40, s15, s23, $0xb8;
	[tilespmem:$0x1A720] =	vst v63  }
0x8f: {  	_ =	swait.ge [sflag:s16], $0x1400  }
0x90: {  	[sflag:s16] =	ssyncset.done $0x0  }
0x91: {  	s17 =	simm.s32 $0x2850;
	[sflag:s16] =	ssyncadd.s32 $0xFFFFEC00  }
0x92: {  	[spmem:s3] =	stream.indirect.scatter.add.bf16 [tilespmem:s7], [sflag:$0xA], $0x40, s17, s23, $0xb8;
	[tilespmem:$0x1A720] =	vst v63  }
0x93: {  	_ = 	snop  }
0x94: {  	[spmem:s4] =	stream.indirect.scatter.add.f32 [tilespmem:s2], [sflag:$0xB], $0x10, s17, s23, $0xb8;
	[tilespmem:$0x1A720] =	vst v63  }
0x95: {  	_ =	swait.ge [sflag:s18], $0x1400  }
0x96: {  	[sflag:s18] =	ssyncset.done $0x0  }
0x97: {  	s22 =	simm.s32 $0x230;
	s14 =	simm.s32 $0x0;
	[sflag:s18] =	ssyncadd.s32 $0xFFFFEC00  }
0x98: {  	[tilespmem:s28], [sflag:$0x3] =	stream.indirect.gather [hbm4b:s1+s23], $0x40, s22, s23, $0xb8;
	[tilespmem:$0x1A720] =	vst v63  }
.LBB2_8:
0x99: {  	_ =	swait.ge [sflag:s31], $0x1400  }
0x9a: {  	s17 =	sshra.s32 s14, $0x2;
	[sflag:s31] =	ssyncset.done $0x0  }
0x9b: {  	s5 =	sadd.s32 $0x28A0, s17;
	[sflag:s31] =	ssyncadd.s32 $0xFFFFEC00  }
0x9c: {  	[spmem:s3] =	stream.indirect.scatter.add.bf16 [tilespmem:s24], [sflag:$0x6], $0x40, s5, s23, $0xb8;
	[tilespmem:$0x1A720] =	vst v63  }
0x9d: {  	_ = 	snop  }
0x9e: {  	[spmem:s4] =	stream.indirect.scatter.add.f32 [tilespmem:s2], [sflag:$0xB], $0x10, s5, s23, $0xb8;
	[tilespmem:$0x1A720] =	vst v63  }
0x9f: {  	_ =	swait.ge [sflag:s19], $0x1400  }
0xa0: {  	[sflag:s19] =	ssyncset.done $0x0  }
0xa1: {  	s15 =	sadd.s32 $0x280, s17;
	[sflag:s19] =	ssyncadd.s32 $0xFFFFEC00  }
0xa2: {  	[tilespmem:s26], [sflag:$0x4] =	stream.indirect.gather [hbm4b:s1+s23], $0x40, s15, s23, $0xb8;
	[tilespmem:$0x1A720] =	vst v63  }
0xa3: {  	_ =	swait.ge [sflag:s0], $0x1400  }
0xa4: {  	[sflag:s0] =	ssyncset.done $0x0  }
0xa5: {  	s22 =	sadd.s32 $0x28F0, s17;
	[sflag:s0] =	ssyncadd.s32 $0xFFFFEC00  }
0xa6: {  	[spmem:s3] =	stream.indirect.scatter.add.bf16 [tilespmem:s25], [sflag:$0x7], $0x40, s22, s23, $0xb8;
	[tilespmem:$0x1A720] =	vst v63  }
0xa7: {  	_ = 	snop  }
0xa8: {  	[spmem:s4] =	stream.indirect.scatter.add.f32 [tilespmem:s2], [sflag:$0xB], $0x10, s22, s23, $0xb8;
	[tilespmem:$0x1A720] =	vst v63  }
0xa9: {  	_ =	swait.ge [sflag:s20], $0x1400  }
0xaa: {  	[sflag:s20] =	ssyncset.done $0x0  }
0xab: {  	s12 =	sadd.s32 $0x2D0, s17;
	[sflag:s20] =	ssyncadd.s32 $0xFFFFEC00  }
0xac: {  	[tilespmem:s7], [sflag:$0x5] =	stream.indirect.gather [hbm4b:s1+s23], $0x40, s12, s23, $0xb8;
	[tilespmem:$0x1A720] =	vst v63  }
0xad: {  	_ =	swait.ge [sflag:s9], $0x1400  }
0xae: {  	[sflag:s9] =	ssyncset.done $0x0  }
0xaf: {  	s15 =	sadd.s32 $0x2940, s17;
	[sflag:s9] =	ssyncadd.s32 $0xFFFFEC00  }
0xb0: {  	[spmem:s3] =	stream.indirect.scatter.add.bf16 [tilespmem:s28], [sflag:$0x8], $0x40, s15, s23, $0xb8;
	[tilespmem:$0x1A720] =	vst v63  }
0xb1: {  	_ = 	snop  }
0xb2: {  	[spmem:s4] =	stream.indirect.scatter.add.f32 [tilespmem:s2], [sflag:$0xB], $0x10, s15, s23, $0xb8;
	[tilespmem:$0x1A720] =	vst v63  }
0xb3: {  	_ =	swait.ge [sflag:s11], $0x1400  }
0xb4: {  	p0 =	seq.s32 s14, $0x8FC0;
	[sflag:s11] =	ssyncset.done $0x0  }
0xb5: {  	s5 =	simm.s32 @p0 $0x4;
	[sflag:s11] =	ssyncadd.s32 $0xFFFFEC00  }
0xb6: {  	_ =	swait.ge @p0 [sflag:s5], $0x1400  }
0xb7: {  	[sflag:s5] =	ssyncset.done @p0 $0x0  }
0xb8: {  	[sflag:s5] =	ssyncadd.s32 @p0 $0xFFFFEC00;
	s5 =	sshra.s32 @p0 s14, $0x2  }
0xb9: {  	s22 =	simm.s32 @p0 $0x50;
	s12 =	simm.s32 @p0 $0x8A20;
	s5 =	sadd.s32 @p0 $0x2990, s5  }
0xba: {  	[spmem:s3] =	stream.indirect.scatter.add.bf16 @p0 [tilespmem:s12], [sflag:$0x9], $0x40, s5, s22, $0xb8;
	[tilespmem:$0x1A720] =	vst v63  }
0xbb: {  	s12 =	simm.s32 @p0 $0xD220  }
0xbc: {  	[spmem:s4] =	stream.indirect.scatter.add.f32 @p0 [tilespmem:s12], [sflag:$0xB], $0x10, s5, s22, $0xb8;
	[tilespmem:$0x1A720] =	vst v63  }
0xbd: {  	s5 =	simm.s32 @p0 $0x7  }
0xbe: {  	_ =	swait.ge @p0 [sflag:s5], $0x1400  }
0xbf: {  	[sflag:s5] =	ssyncset.done @p0 $0x0  }
0xc0: {  	[sflag:s5] =	ssyncadd.s32 @p0 $0xFFFFEC00;
	s5 =	sshra.s32 @!p0 s14, $0x2  }
0xc1: {  	s15 =	simm.s32 @!p0 $0x4E20;
	s22 =	simm.s32 @!p0 $0x50;
	s12 =	sadd.s32 @!p0 $0x320, s5  }
0xc2: {  	[tilespmem:s15], [sflag:$0x1] =	stream.indirect.gather @!p0 [hbm4b:s1+s22], $0x40, s12, s22, $0xb8;
	[tilespmem:$0x1A720] =	vst v63  }
0xc3: {  	s12 =	simm.s32 @!p0 $0x4  }
0xc4: {  	_ =	swait.ge @!p0 [sflag:s12], $0x1400  }
0xc5: {  	[sflag:s12] =	ssyncset.done @!p0 $0x0  }
0xc6: {  	s15 =	simm.s32 @!p0 $0x8A20;
	[sflag:s12] =	ssyncadd.s32 @!p0 $0xFFFFEC00;
	s12 =	sadd.s32 @!p0 $0x2990, s5  }
0xc7: {  	[spmem:s3] =	stream.indirect.scatter.add.bf16 @!p0 [tilespmem:s15], [sflag:$0x9], $0x40, s12, s22, $0xb8;
	[tilespmem:$0x1A720] =	vst v63  }
0xc8: {  	s15 =	simm.s32 @!p0 $0xD220  }
0xc9: {  	[spmem:s4] =	stream.indirect.scatter.add.f32 @!p0 [tilespmem:s15], [sflag:$0xB], $0x10, s12, s22, $0xb8;
	[tilespmem:$0x1A720] =	vst v63  }
0xca: {  	s12 =	simm.s32 @!p0 $0x7  }
0xcb: {  	_ =	swait.ge @!p0 [sflag:s12], $0x1400  }
0xcc: {  	[sflag:s12] =	ssyncset.done @!p0 $0x0  }
0xcd: {  	s5 =	sadd.s32 @!p0 $0x370, s5;
	[sflag:s12] =	ssyncadd.s32 @!p0 $0xFFFFEC00;
	s12 =	simm.s32 @!p0 $0x6220  }
0xce: {  	[tilespmem:s12], [sflag:$0x2] =	stream.indirect.gather @!p0 [hbm4b:s1+s22], $0x40, s5, s22, $0xb8;
	[tilespmem:$0x1A720] =	vst v63  }
0xcf: {  	_ =	swait.ge [sflag:s16], $0x1400  }
0xd0: {  	[sflag:s16] =	ssyncset.done $0x0  }
0xd1: {  	s22 =	sadd.s32 $0x29E0, s17;
	[sflag:s16] =	ssyncadd.s32 $0xFFFFEC00  }
0xd2: {  	[spmem:s3] =	stream.indirect.scatter.add.bf16 [tilespmem:s7], [sflag:$0xA], $0x40, s22, s23, $0xb8;
	[tilespmem:$0x1A720] =	vst v63  }
.Ltmp3:
0xd3: {  	_ = 	snop;
	(pc) =	sbr.rel @p0 .LBB2_10-.Ltmp3, $4  }
0xd4: {  	[spmem:s4] =	stream.indirect.scatter.add.f32 [tilespmem:s2], [sflag:$0xB], $0x10, s22, s23, $0xb8;
	[tilespmem:$0x1A720] =	vst v63  }
0xd5: {  	_ =	swait.ge [sflag:s18], $0x1400  }
0xd6: {  	[sflag:s18] =	ssyncset.done $0x0  }
0xd7: {  	[sflag:s18] =	ssyncadd.s32 $0xFFFFEC00  }
.Ltmp4:
0xd8: {  	(pc) =	sbr.rel .LBB2_8-.Ltmp4, $3  }
0xd9: {  	_ =	sdelay $0x1  }
0xda: {  	s5 =	sadd.s32 $0x3C0, s17;
	s14 =	sadd.s32 $0x640, s14  }
0xdb: {  	[tilespmem:s28], [sflag:$0x3] =	stream.indirect.gather [hbm4b:s1+s23], $0x40, s5, s23, $0xb8;
	[tilespmem:$0x1A720] =	vst v63  }
.LBB2_10:
0xdc: {  	_ =	swait.ge [sflag:s19], $0x1400  }
0xdd: {  	[sflag:s19] =	ssyncset.done $0x0  }
0xde: {  	[sflag:s19] =	ssyncadd.s32 $0xFFFFEC00  }
0xdf: {  	_ =	swait.ge [sflag:s20], $0x1400  }
0xe0: {  	[sflag:s20] =	ssyncset.done $0x0  }
0xe1: {  	[sflag:s20] =	ssyncadd.s32 $0xFFFFEC00  }
0xe2: {  	_ =	swait.ge [sflag:s6], $0x500  }
0xe3: {  	s14 =	simm.s32 $0x7C;
	[sflag:s6] =	ssyncset.done $0x0  }
.LBB2_11:
0xe4: {  	p0 =	sne.s32 s14, $0x1;
	s14 =	sadd.s32 $0xFFFFFFFF, s14;
	[sflag:s6] =	ssyncadd.s32 $0xFFFFFB00  }
.Ltmp5:
0xe5: {  	(pc) =	sbr.rel @p0 .LBB2_11-.Ltmp5, $3  }
0xe6: {  	_ =	sdelay $0x1  }
0xe7: {  	_ =	swait.ge [sflag:s6], $0x500  }
0xe8: {  	[sflag:s6] =	ssyncset.done $0x0  }
0xe9: {  	[sflag:s6] =	ssyncadd.s32 $0xFFFFFB00;
	s5 =	stileid.u32  }
0xea: {  	s5 =	sshll.u32 s5, $0x6;
	[bflag:$0x0] =	sbarrier.arrive $0xFFFF  }
0xeb: {  	s12 =	sshrl.u32 s8, $0x3;
	s5 =	sor.u32 $0x1C0C, s5;
	s14 =	rddreg [dreg:$0xf]  }
0xec: {  	[hbm:s14], [sflag:s5] =	dma.local [spmem:s12], $0x1400  }
0xed: {  	_ =	swait.ge [sflag:s21], $0x1400  }
0xee: {  	[sflag:s21] =	ssyncset.done $0x0  }
0xef: {  	s15 =	sshrl.u32 s13, $0x3;
	s17 =	rddreg [dreg:$0x10];
	[sflag:s21] =	ssyncadd.s32 $0xFFFFEC00  }
0xf0: {  	[hbm:s17], [sflag:s5] =	dma.local [spmem:s15], $0x500  }
0xf1: {  	_ =	swait.ge [sflag:s21], $0x500  }
0xf2: {  	s10 =	sadd.s32 $0x1, s10;
	s22 =	rddreg [dreg:$0x11]  }
0xf3: {  	p0 =	sne.s32 s10, s22  }
.Ltmp6:
0xf4: {  	_ = 	snop;
	(pc) =	sbr.rel @p0 .LBB2_1-.Ltmp6, $3  }
0xf5: {  	_ =	sdelay $0x1  }
0xf6: {  	[sflag:s21] =	ssyncset.done $0x0  }
0xf7: {  	s15 =	simm.s32 $0x2710;
	[sflag:s21] =	ssyncadd.s32 $0xFFFFFB00  }
0xf8: {  	_ =	sfence.sel $0x180000  }
0xf9: {  	[bflag:$0x0] =	sbarrier.arrive $0xFFFF  }
0xfa: {  	_ =	strace $0x90000047  }
0xfb: {  	s0 =	stileid.u32;
	[bflag:$0x2] =	sbarrier.arrive $0xFFFF  }
0xfc: {  	p0 =	sne.s32 s0, $0x0;
	s0 =	rddreg [dreg:$0x4]  }
0xfd: {  	s0 =	sadd.s32 @!p0 $0x100000, s0  }
0xfe: {  	[sflag:s0] =	ssyncadd.tile.s32 @!p0 $0x1;
	_ =	shalt  }
.Lfunc_end2:
_tile_overlayer_lowered:
.L_overlay_start_2:
0xff: {  	(tag) =	ssettag $0x2  }
0x100: {  	s0 =	rddreg [dreg:$0x0];
	s2 =	stileid.u32  }
0x101: {  	s1 =	rddreg [dreg:$0x1];
	p0 =	sne.s32 s2, $0x0  }
0x102: {  	s3 =	rddreg [dreg:$0x2];
	[bflag:$0x3] =	sbarrier.arrive $0xFFFF;
	s2 =	simm.s32 @!p0 $0x1C0C  }
0x103: {  	[timem:s3], [sflag:s2] =	dma.local @!p0 [hbm:s0], s1  }
0x104: {  	s0 =	simm.s32 @!p0 $0xC  }
0x105: {  	_ =	swait.ge @!p0 [sflag:s0], s1  }
0x106: {  	s1 =	ssub.s32 @!p0 $0x0, s1;
	[sflag:s0] =	ssyncset.done @!p0 $0x0  }
0x107: {  	[sflag:s0] =	ssyncadd.s32 @!p0 s1  }
0x108: {  	[bflag:$0x3] =	sbarrier.arrive $0xFFFF  }
0x109: {  	_ =	shalt  }

</sc_bundles>
